<compile_context>
chip_gen: v7x
topology: tpu7x:2x2x1
jax: 0.10.2.dev20260603
libtpu: 0.0.44.dev20260713+nightly
codegen_flags: <defaults>
</compile_context>

<pallas_src>
import functools

import jax
import jax.numpy as jnp
from jax import lax
from jax.experimental import pallas as pl
from jax.experimental.pallas import tpu as pltpu
from jax.experimental.pallas import tpu_sc as plsc

NQ = 10000
NKV = 10000
E = 320000
D = 128

NC = 2
NS = 16
NW = NC * NS
L = 16
D_PER = D // NW
CHUNK = 6400


def _tc_project(q_ref, kvt_ref, ei_ref, we_ref, wo_ref, be_ref, bo_ref,
                awqe_ref, awqo_ref, awkve_ref, awkvo_ref, ab_ref,
                sq_ref, skv_ref, kvpp_ref, qk_ref):
    kvt = kvt_ref[...]
    kvpt_e = jnp.dot(we_ref[...], kvt, preferred_element_type=jnp.float32)
    kvpt_e = kvpt_e + be_ref[...][:, None]
    kvpt_o = jnp.dot(wo_ref[...], kvt, preferred_element_type=jnp.float32)
    kvpt_o = kvpt_o + bo_ref[...][:, None]
    lo = jax.lax.bitcast_convert_type(
        kvpt_e.astype(jnp.bfloat16), jnp.uint16).astype(jnp.int32)
    hi = jax.lax.bitcast_convert_type(
        kvpt_o.astype(jnp.bfloat16), jnp.uint16).astype(jnp.int32)
    kvpp_ref[...] = lo | (hi << 16)
    v_q = (jnp.sum(awqe_ref[...][:, None] * we_ref[...], axis=0)
           + jnp.sum(awqo_ref[...][:, None] * wo_ref[...], axis=0))
    const = (jnp.sum(be_ref[...] * awqe_ref[...])
             + jnp.sum(bo_ref[...] * awqo_ref[...]) + ab_ref[0, 0])
    sq_ref[...] = jnp.sum(q_ref[...] * v_q[None, :], axis=1) + const
    skv_ref[...] = (jnp.sum(kvpt_e * awkve_ref[...][:, None], axis=0)
                    + jnp.sum(kvpt_o * awkvo_ref[...][:, None], axis=0))
    qk_ref[...] = ei_ref[0] * 65536 + ei_ref[1]


_project = pl.pallas_call(
    _tc_project,
    out_shape=[
        jax.ShapeDtypeStruct((NQ,), jnp.float32),
        jax.ShapeDtypeStruct((NKV,), jnp.float32),
        jax.ShapeDtypeStruct((D // 2, NKV), jnp.int32),
        jax.ShapeDtypeStruct((E,), jnp.int32),
    ],
)


def _unpack_qk(packed):
    qi = lax.shift_right_logical(packed, 16)
    kvi = jnp.bitwise_and(packed, 0xFFFF)
    return qi, kvi


_mesh = plsc.VectorSubcoreMesh(core_axis_name="c", subcore_axis_name="s")

E_PER = E // NW


@functools.partial(
    pl.kernel,
    out_type=[
        jax.ShapeDtypeStruct((E,), jnp.float32),
        jax.ShapeDtypeStruct((NW * NQ,), jnp.float32),
    ],
    mesh=_mesh,
    compiler_params=pltpu.CompilerParams(
        needs_layout_passes=False, disable_bounds_checks=True),
    scratch_types=[
        pltpu.VMEM((NQ,), jnp.float32),
        pltpu.VMEM((NKV,), jnp.float32),
        pltpu.VMEM((E_PER,), jnp.int32),
        pltpu.VMEM((E_PER,), jnp.float32),
        pltpu.VMEM((NQ,), jnp.float32),
    ],
)
def _sc_weights(qk_hbm, sq_hbm, skv_hbm, w_hbm, zp_hbm,
                sq_v, skv_v, qkb, wb, z_v):
    wid = lax.axis_index("s") * NC + lax.axis_index("c")
    base = wid * E_PER

    pltpu.sync_copy(sq_hbm, sq_v)
    pltpu.sync_copy(skv_hbm, skv_v)
    pltpu.sync_copy(qk_hbm.at[pl.ds(base, E_PER)], qkb)

    zeros = jnp.zeros((L,), jnp.float32)

    @plsc.parallel_loop(0, NQ // L, unroll=8)
    def zzero_body(i):
        z_v[pl.ds(i * L, L)] = zeros

    @plsc.parallel_loop(0, E_PER // L, unroll=8)
    def weight_body(g):
        sl = pl.ds(g * L, L)
        qi, kvi = _unpack_qk(qkb[sl])
        sq = plsc.load_gather(sq_v, [qi])
        skv = plsc.load_gather(skv_v, [kvi])
        e = sq + skv
        e = jnp.maximum(e, 0.2 * e)
        w = jnp.exp(e)
        wb[sl] = w
        plsc.addupdate_scatter(z_v, [qi], w)

    pltpu.sync_copy(wb, w_hbm.at[pl.ds(base, E_PER)])
    pltpu.sync_copy(z_v, zp_hbm.at[pl.ds(wid * NQ, NQ)])


@functools.partial(
    pl.kernel,
    out_type=jax.ShapeDtypeStruct((D * NQ,), jnp.float32),
    mesh=_mesh,
    compiler_params=pltpu.CompilerParams(
        needs_layout_passes=False, disable_bounds_checks=True),
    scratch_types=[
        pltpu.VMEM((D_PER // 2 * NKV,), jnp.int32),
        pltpu.VMEM((D_PER * NQ,), jnp.float32),
        pltpu.VMEM((2, CHUNK), jnp.int32),
        pltpu.VMEM((2, CHUNK), jnp.float32),
        pltpu.SemaphoreType.DMA((2,)),
        pltpu.SemaphoreType.DMA((2,)),
    ],
)
def _sc_aggregate(qk_hbm, w_hbm, kvpt_hbm, acct_hbm,
                  kvp_v, acc_v, qkib, wib, sem_q, sem_w):
    wid = lax.axis_index("s") * NC + lax.axis_index("c")
    row0 = wid * D_PER
    pair0 = wid * (D_PER // 2)

    for j in range(D_PER // 2):
        pltpu.sync_copy(kvpt_hbm.at[pl.ds((pair0 + j) * NKV, NKV)],
                        kvp_v.at[pl.ds(j * NKV, NKV)])

    zeros = jnp.zeros((L,), jnp.float32)

    @plsc.parallel_loop(0, NQ // L, unroll=8)
    def zero_body(i):
        for d in range(D_PER):
            acc_v[pl.ds(d * NQ + i * L, L)] = zeros

    n_chunks = E // CHUNK

    pltpu.async_copy(qk_hbm.at[pl.ds(0, CHUNK)], qkib.at[0], sem_q.at[0])
    pltpu.async_copy(w_hbm.at[pl.ds(0, CHUNK)], wib.at[0], sem_w.at[0])

    def chunk_body(c, carry):
        buf = lax.rem(c, 2)
        nbuf = 1 - buf

        @pl.when(c + 1 < n_chunks)
        def _start_next():
            off = (c + 1) * CHUNK
            pltpu.async_copy(qk_hbm.at[pl.ds(off, CHUNK)], qkib.at[nbuf],
                             sem_q.at[nbuf])
            pltpu.async_copy(w_hbm.at[pl.ds(off, CHUNK)], wib.at[nbuf],
                             sem_w.at[nbuf])

        pltpu.make_async_copy(qk_hbm.at[pl.ds(0, CHUNK)], qkib.at[buf],
                              sem_q.at[buf]).wait()
        pltpu.make_async_copy(w_hbm.at[pl.ds(0, CHUNK)], wib.at[buf],
                              sem_w.at[buf]).wait()

        @plsc.parallel_loop(0, CHUNK // L, unroll=8)
        def accum_body(g):
            sl = pl.ds(g * L, L)
            qi, kvi = _unpack_qk(qkib[buf, sl])
            w = wib[buf, sl]
            for j in range(D_PER // 2):
                pair = plsc.load_gather(kvp_v.at[pl.ds(j * NKV, NKV)], [kvi])
                c_even = plsc.bitcast(pair << 16, jnp.float32)
                c_odd = plsc.bitcast(
                    jnp.bitwise_and(pair, jnp.int32(-65536)), jnp.float32)
                plsc.addupdate_scatter(
                    acc_v.at[pl.ds((2 * j) * NQ, NQ)], [qi], w * c_even)
                plsc.addupdate_scatter(
                    acc_v.at[pl.ds((2 * j + 1) * NQ, NQ)], [qi], w * c_odd)

        return carry

    lax.fori_loop(0, n_chunks, chunk_body, 0)

    for d in range(D_PER):
        pltpu.sync_copy(acc_v.at[pl.ds(d * NQ, NQ)],
                        acct_hbm.at[pl.ds((row0 + d) * NQ, NQ)])


def _tc_scale(acct_ref, zp_ref, out_ref):
    z = jnp.sum(zp_ref[...], axis=0)
    out_ref[...] = (acct_ref[...] * (1.0 / (z + 1e-10))[None, :]).T


_scale = pl.pallas_call(
    _tc_scale,
    out_shape=jax.ShapeDtypeStruct((NQ, D), jnp.float32),
)


def kernel(query_nodes, key_value_nodes, edge_index, proj_w, proj_b,
           attend_w, attend_b):
    kvt = key_value_nodes.T
    ab = jnp.reshape(attend_b, (1, 1))
    sq, skv, kvpp, qk = _project(
        query_nodes, kvt, edge_index,
        proj_w[0::2], proj_w[1::2], proj_b[0::2], proj_b[1::2],
        attend_w[0:D:2], attend_w[1:D:2], attend_w[D::2], attend_w[D + 1::2],
        ab)
    w, zp = _sc_weights(qk, sq, skv)
    acct = _sc_aggregate(qk, w, kvpp.reshape(-1))
    return _scale(acct.reshape(D, NQ), zp.reshape(NW, NQ))

# --- scband reference (transcript-rebuilt; emitter-appended) ---
"""Pipeline reference for scband-cross-view-attention-5592047419813 (READ-ONLY COPY).

The authoritative reference and input builder live on the scoring server;
editing this copy changes nothing except your own understanding.
"""

import jax, jax.numpy as jnp
import numpy as np

ALPHA_LEAKY = 0.2

NQ = 10000
NKV = 10000
E = 320000
D = 128


def setup_inputs(seed: int = 0) -> dict:
    key = jax.random.key(seed)
    ks = jax.random.split(key, 7)
    query_nodes = jax.random.normal(ks[0], (NQ, D), dtype=jnp.float32)
    key_value_nodes = jax.random.normal(ks[1], (NKV, D), dtype=jnp.float32)
    edge_index = jax.random.randint(ks[2], (2, E), 0, NQ).astype(jnp.int32)
    # nn.Linear(embed_dim, embed_dim): weight [D, D], bias [D]
    proj_w = jax.random.normal(ks[3], (D, D), dtype=jnp.float32) * (1.0 / np.sqrt(D))
    proj_b = jax.random.normal(ks[4], (D,), dtype=jnp.float32) * 0.01
    # nn.Linear(2*embed_dim, 1): weight [2D], bias scalar
    attend_w = jax.random.normal(ks[5], (2 * D,), dtype=jnp.float32) * (1.0 / np.sqrt(2 * D))
    attend_b = jax.random.normal(ks[6], (), dtype=jnp.float32) * 0.01
    return {
        "query_nodes": query_nodes,
        "key_value_nodes": key_value_nodes,
        "edge_index": edge_index,
        "proj_w": proj_w,
        "proj_b": proj_b,
        "attend_w": attend_w,
        "attend_b": attend_b,
    }


def reference(query_nodes, key_value_nodes, edge_index, proj_w, proj_b, attend_w, attend_b):
    num_query_nodes = query_nodes.shape[0]
    query_idx = edge_index[0]
    kv_idx = edge_index[1]
    # shared projection (same nn.Linear applied to both sides)
    query_proj = jnp.take(query_nodes, query_idx, axis=0) @ proj_w.T + proj_b
    kv_proj = jnp.take(key_value_nodes, kv_idx, axis=0) @ proj_w.T + proj_b
    a_input = jnp.concatenate([query_proj, kv_proj], axis=1)
    e = a_input @ attend_w + attend_b
    e = jnp.where(e > 0, e, ALPHA_LEAKY * e)  # LeakyReLU(0.2)
    # numerically-stable per-query-node softmax over incident edges
    e_max = jax.ops.segment_max(e, query_idx, num_segments=num_query_nodes)
    e_exp = jnp.exp(e - e_max[query_idx])
    e_sum = jax.ops.segment_sum(e_exp, query_idx, num_segments=num_query_nodes)
    attention = e_exp / (e_sum[query_idx] + 1e-10)
    # dropout is identity in eval mode
    weighted_values = kv_proj * attention[:, None]
    aggregated_context = jnp.zeros((num_query_nodes, query_nodes.shape[1]), dtype=query_nodes.dtype)
    aggregated_context = aggregated_context.at[query_idx].add(weighted_values)
    return aggregated_context

if __name__ == "__main__":
    import jax
    _d = setup_inputs()
    print(jax.jit(kernel)(*tuple(_d.values())))

</pallas_src>

<mosaic_0001>
#map = affine_map<(d0, d1) -> (0)>
module attributes {stable_mosaic.version = 14 : i64} {
  func.func @_sc_weights(%arg0: i32, %arg1: i32, %arg2: memref<320000xi32, #tpu.memory_space<hbm>>, %arg3: memref<10000xf32, #tpu.memory_space<hbm>>, %arg4: memref<10000xf32, #tpu.memory_space<hbm>>, %arg5: memref<320000xf32, #tpu.memory_space<hbm>>, %arg6: memref<320000xf32, #tpu.memory_space<hbm>>, %arg7: memref<10000xf32, #tpu.memory_space<vmem>>, %arg8: memref<10000xf32, #tpu.memory_space<vmem>>, %arg9: memref<10000xi32, #tpu.memory_space<vmem>>, %arg10: memref<10000xf32, #tpu.memory_space<vmem>>, %arg11: memref<10000xf32, #tpu.memory_space<vmem>>) attributes {dimension_semantics = [#tpu.dimension_semantics<core_parallel>, #tpu.dimension_semantics<subcore_parallel>], iteration_bounds = array<i64: 2, 16>, scalar_prefetch = 0 : i64, scratch_operands = 5 : i64, tpu.core_type = #tpu.core_type<sc_vector_subcore>, window_params = [{transform_indices = #map}, {transform_indices = #map}, {transform_indices = #map}, {transform_indices = #map}, {transform_indices = #map}]} {
    %mul3A = arith.constant 2 : i32
    %mul3A_0 = arith.muli %arg1, %mul3A : i32
    %add3A = arith.addi %mul3A_0, %arg0 : i32
    %mul3A_1 = arith.constant 10000 : i32
    %mul3A_2 = arith.muli %add3A, %mul3A_1 : i32
    "tpu.region"() ({
      %run_scoped3A = tpu.sem_alloc : memref<!tpu.dma_semaphore, #tpu.memory_space<semaphore_mem>>
      tpu.enqueue_dma source(%arg3 : memref<10000xf32, #tpu.memory_space<hbm>>) target(%arg7 : memref<10000xf32, #tpu.memory_space<vmem>>) target_semaphore(%run_scoped3A : memref<!tpu.dma_semaphore, #tpu.memory_space<semaphore_mem>>)
      tpu.wait_dma2 semaphore(%run_scoped3A : memref<!tpu.dma_semaphore, #tpu.memory_space<semaphore_mem>>) src(%arg3 : memref<10000xf32, #tpu.memory_space<hbm>>) dst(%arg7 : memref<10000xf32, #tpu.memory_space<vmem>>)
      tpu.yield
    }) : () -> ()
    "tpu.region"() ({
      %run_scoped3A = tpu.sem_alloc : memref<!tpu.dma_semaphore, #tpu.memory_space<semaphore_mem>>
      tpu.enqueue_dma source(%arg4 : memref<10000xf32, #tpu.memory_space<hbm>>) target(%arg8 : memref<10000xf32, #tpu.memory_space<vmem>>) target_semaphore(%run_scoped3A : memref<!tpu.dma_semaphore, #tpu.memory_space<semaphore_mem>>)
      tpu.wait_dma2 semaphore(%run_scoped3A : memref<!tpu.dma_semaphore, #tpu.memory_space<semaphore_mem>>) src(%arg4 : memref<10000xf32, #tpu.memory_space<hbm>>) dst(%arg8 : memref<10000xf32, #tpu.memory_space<vmem>>)
      tpu.yield
    }) : () -> ()
    "tpu.region"() ({
      %run_scoped3A = tpu.sem_alloc : memref<!tpu.dma_semaphore, #tpu.memory_space<semaphore_mem>>
      %dma_start3A = tpu.memref_slice %arg2[%mul3A_2] : memref<320000xi32, #tpu.memory_space<hbm>> -> memref<10000xi32, #tpu.memory_space<hbm>>
      %dma_start3A_11 = tpu.memref_slice %arg2[%mul3A_2] : memref<320000xi32, #tpu.memory_space<hbm>> -> memref<10000xi32, #tpu.memory_space<hbm>>
      tpu.enqueue_dma source(%dma_start3A_11 : memref<10000xi32, #tpu.memory_space<hbm>>) target(%arg9 : memref<10000xi32, #tpu.memory_space<vmem>>) target_semaphore(%run_scoped3A : memref<!tpu.dma_semaphore, #tpu.memory_space<semaphore_mem>>)
      %dma_wait3A = tpu.memref_slice %arg2[%mul3A_2] : memref<320000xi32, #tpu.memory_space<hbm>> -> memref<10000xi32, #tpu.memory_space<hbm>>
      %dma_wait3A_12 = tpu.memref_slice %arg2[%mul3A_2] : memref<320000xi32, #tpu.memory_space<hbm>> -> memref<10000xi32, #tpu.memory_space<hbm>>
      tpu.wait_dma2 semaphore(%run_scoped3A : memref<!tpu.dma_semaphore, #tpu.memory_space<semaphore_mem>>) src(%dma_wait3A_12 : memref<10000xi32, #tpu.memory_space<hbm>>) dst(%arg9 : memref<10000xi32, #tpu.memory_space<vmem>>)
      tpu.yield
    }) : () -> ()
    %broadcast_in_dim3A = arith.constant 0.000000e+00 : f32
    %broadcast_in_dim3A_3 = vector.broadcast %broadcast_in_dim3A : f32 to vector<16xf32>
    %parallel_loop3A = arith.constant 0 : i32
    %parallel_loop3A_4 = arith.constant 625 : i32
    %parallel_loop3A_5 = arith.constant 1 : i32
    scf.for %parallel_loop3A_11 = %parallel_loop3A to %parallel_loop3A_4 step %parallel_loop3A_5  : i32 {
      %parallel_loop3A_12 = arith.constant 16 : i32
      %parallel_loop3A_13 = arith.muli %parallel_loop3A_11, %parallel_loop3A_12 : i32
      %parallel_loop3A_14 = arith.index_cast %parallel_loop3A_13 : i32 to index
      %parallel_loop3A_15 = tpu.vector_load %arg11[%parallel_loop3A_14] {strides = array<i32>} : memref<10000xf32, #tpu.memory_space<vmem>>, vector<16xf32>,
      tpu.vector_store %arg11[%parallel_loop3A_14], %broadcast_in_dim3A_3 {strides = array<i32>} : memref<10000xf32, #tpu.memory_space<vmem>>, vector<16xf32>,
    } {sc.loop_unroll_factor = 8 : i64, sc.parallel_access}
    %parallel_loop3A_6 = arith.constant 0 : i32
    %parallel_loop3A_7 = arith.constant 625 : i32
    %parallel_loop3A_8 = arith.constant 1 : i32
    scf.for %parallel_loop3A_11 = %parallel_loop3A_6 to %parallel_loop3A_7 step %parallel_loop3A_8  : i32 {
      %parallel_loop3A_12 = arith.constant 16 : i32
      %parallel_loop3A_13 = arith.muli %parallel_loop3A_11, %parallel_loop3A_12 : i32
      %parallel_loop3A_14 = arith.index_cast %parallel_loop3A_13 : i32 to index
      %parallel_loop3A_15 = tpu.vector_load %arg9[%parallel_loop3A_14] {strides = array<i32>} : memref<10000xi32, #tpu.memory_space<vmem>>, vector<16xi32>,
      %parallel_loop3A_16 = arith.constant 16 : i32
      %parallel_loop3A_17 = vector.broadcast %parallel_loop3A_16 : i32 to vector<16xi32>
      %parallel_loop3A_18 = arith.shrui %parallel_loop3A_15, %parallel_loop3A_17 : vector<16xi32>
      %parallel_loop3A_19 = arith.constant 65535 : i32
      %parallel_loop3A_20 = vector.broadcast %parallel_loop3A_19 : i32 to vector<16xi32>
      %parallel_loop3A_21 = arith.andi %parallel_loop3A_15, %parallel_loop3A_20 : vector<16xi32>
      %parallel_loop3A_22 = tpu.vector_load_idx %arg7[%parallel_loop3A_18] : memref<10000xf32, #tpu.memory_space<vmem>>[vector<16xi32>], vector<16xf32>,
      %parallel_loop3A_23 = tpu.vector_load_idx %arg8[%parallel_loop3A_21] : memref<10000xf32, #tpu.memory_space<vmem>>[vector<16xi32>], vector<16xf32>,
      %parallel_loop3A_24 = arith.addf %parallel_loop3A_22, %parallel_loop3A_23 : vector<16xf32>
      %parallel_loop3A_25 = arith.constant 2.000000e-01 : f32
      %parallel_loop3A_26 = vector.broadcast %parallel_loop3A_25 : f32 to vector<16xf32>
      %parallel_loop3A_27 = arith.mulf %parallel_loop3A_26, %parallel_loop3A_24 : vector<16xf32>
      %parallel_loop3A_28 = arith.maximumf %parallel_loop3A_24, %parallel_loop3A_27 : vector<16xf32>
      %parallel_loop3A_29 = math.exp %parallel_loop3A_28 : vector<16xf32>
      %parallel_loop3A_30 = arith.index_cast %parallel_loop3A_13 : i32 to index
      %parallel_loop3A_31 = tpu.vector_load %arg10[%parallel_loop3A_30] {strides = array<i32>} : memref<10000xf32, #tpu.memory_space<vmem>>, vector<16xf32>,
      tpu.vector_store %arg10[%parallel_loop3A_30], %parallel_loop3A_29 {strides = array<i32>} : memref<10000xf32, #tpu.memory_space<vmem>>, vector<16xf32>,
      tpu.vector_store_idx %arg11[%parallel_loop3A_18], %parallel_loop3A_29 {add = true} : memref<10000xf32, #tpu.memory_space<vmem>>[vector<16xi32>], vector<16xf32>,
    } {sc.loop_unroll_factor = 8 : i64, sc.parallel_access}
    "tpu.region"() ({
      %run_scoped3A = tpu.sem_alloc : memref<!tpu.dma_semaphore, #tpu.memory_space<semaphore_mem>>
      %dma_start3A = tpu.memref_slice %arg5[%mul3A_2] : memref<320000xf32, #tpu.memory_space<hbm>> -> memref<10000xf32, #tpu.memory_space<hbm>>
      %dma_start3A_11 = tpu.memref_slice %arg5[%mul3A_2] : memref<320000xf32, #tpu.memory_space<hbm>> -> memref<10000xf32, #tpu.memory_space<hbm>>
      tpu.enqueue_dma source(%arg10 : memref<10000xf32, #tpu.memory_space<vmem>>) target(%dma_start3A_11 : memref<10000xf32, #tpu.memory_space<hbm>>) target_semaphore(%run_scoped3A : memref<!tpu.dma_semaphore, #tpu.memory_space<semaphore_mem>>)
      %dma_wait3A = tpu.memref_slice %arg5[%mul3A_2] : memref<320000xf32, #tpu.memory_space<hbm>> -> memref<10000xf32, #tpu.memory_space<hbm>>
      %dma_wait3A_12 = tpu.memref_slice %arg5[%mul3A_2] : memref<320000xf32, #tpu.memory_space<hbm>> -> memref<10000xf32, #tpu.memory_space<hbm>>
      tpu.wait_dma2 semaphore(%run_scoped3A : memref<!tpu.dma_semaphore, #tpu.memory_space<semaphore_mem>>) src(%arg10 : memref<10000xf32, #tpu.memory_space<vmem>>) dst(%dma_wait3A_12 : memref<10000xf32, #tpu.memory_space<hbm>>)
      tpu.yield
    }) : () -> ()
    %mul3A_9 = arith.constant 10000 : i32
    %mul3A_10 = arith.muli %add3A, %mul3A_9 : i32
    "tpu.region"() ({
      %run_scoped3A = tpu.sem_alloc : memref<!tpu.dma_semaphore, #tpu.memory_space<semaphore_mem>>
      %dma_start3A = tpu.memref_slice %arg6[%mul3A_10] : memref<320000xf32, #tpu.memory_space<hbm>> -> memref<10000xf32, #tpu.memory_space<hbm>>
      %dma_start3A_11 = tpu.memref_slice %arg6[%mul3A_10] : memref<320000xf32, #tpu.memory_space<hbm>> -> memref<10000xf32, #tpu.memory_space<hbm>>
      tpu.enqueue_dma source(%arg11 : memref<10000xf32, #tpu.memory_space<vmem>>) target(%dma_start3A_11 : memref<10000xf32, #tpu.memory_space<hbm>>) target_semaphore(%run_scoped3A : memref<!tpu.dma_semaphore, #tpu.memory_space<semaphore_mem>>)
      %dma_wait3A = tpu.memref_slice %arg6[%mul3A_10] : memref<320000xf32, #tpu.memory_space<hbm>> -> memref<10000xf32, #tpu.memory_space<hbm>>
      %dma_wait3A_12 = tpu.memref_slice %arg6[%mul3A_10] : memref<320000xf32, #tpu.memory_space<hbm>> -> memref<10000xf32, #tpu.memory_space<hbm>>
      tpu.wait_dma2 semaphore(%run_scoped3A : memref<!tpu.dma_semaphore, #tpu.memory_space<semaphore_mem>>) src(%arg11 : memref<10000xf32, #tpu.memory_space<vmem>>) dst(%dma_wait3A_12 : memref<10000xf32, #tpu.memory_space<hbm>>)
      tpu.yield
    }) : () -> ()
    return
  }
}

#map = affine_map<(d0, d1) -> (0)>
module attributes {stable_mosaic.version = 14 : i64} {
  func.func @_sc_aggregate(%arg0: i32, %arg1: i32, %arg2: memref<320000xi32, #tpu.memory_space<hbm>>, %arg3: memref<320000xf32, #tpu.memory_space<hbm>>, %arg4: memref<640000xi32, #tpu.memory_space<hbm>>, %arg5: memref<1280000xf32, #tpu.memory_space<hbm>>, %arg6: memref<20000xi32, #tpu.memory_space<vmem>>, %arg7: memref<40000xf32, #tpu.memory_space<vmem>>, %arg8: memref<2x6400xi32, #tpu.memory_space<vmem>>, %arg9: memref<2x6400xf32, #tpu.memory_space<vmem>>, %arg10: memref<2x!tpu.dma_semaphore, #tpu.memory_space<semaphore_mem>>, %arg11: memref<2x!tpu.dma_semaphore, #tpu.memory_space<semaphore_mem>>) attributes {dimension_semantics = [#tpu.dimension_semantics<core_parallel>, #tpu.dimension_semantics<subcore_parallel>], iteration_bounds = array<i64: 2, 16>, scalar_prefetch = 0 : i64, scratch_operands = 6 : i64, tpu.core_type = #tpu.core_type<sc_vector_subcore>, window_params = [{transform_indices = #map}, {transform_indices = #map}, {transform_indices = #map}, {transform_indices = #map}]} {
    %mul3A = arith.constant 2 : i32
    %mul3A_0 = arith.muli %arg1, %mul3A : i32
    %add3A = arith.addi %mul3A_0, %arg0 : i32
    %mul3A_1 = arith.constant 4 : i32
    %mul3A_2 = arith.muli %add3A, %mul3A_1 : i32
    %mul3A_3 = arith.constant 2 : i32
    %mul3A_4 = arith.muli %add3A, %mul3A_3 : i32
    %add3A_5 = arith.constant 0 : i32
    %add3A_6 = arith.addi %mul3A_4, %add3A_5 : i32
    %mul3A_7 = arith.constant 10000 : i32
    %mul3A_8 = arith.muli %add3A_6, %mul3A_7 : i32
    "tpu.region"() ({
      %run_scoped3A = tpu.sem_alloc : memref<!tpu.dma_semaphore, #tpu.memory_space<semaphore_mem>>
      %dma_start3A_64 = arith.constant 0 : i32
      %dma_start3A_65 = tpu.memref_slice %arg6[%dma_start3A_64] : memref<20000xi32, #tpu.memory_space<vmem>> -> memref<10000xi32, #tpu.memory_space<vmem>>
      %dma_start3A_66 = tpu.memref_slice %arg4[%mul3A_8] : memref<640000xi32, #tpu.memory_space<hbm>> -> memref<10000xi32, #tpu.memory_space<hbm>>
      %dma_start3A_67 = arith.constant 0 : i32
      %dma_start3A_68 = tpu.memref_slice %arg6[%dma_start3A_67] : memref<20000xi32, #tpu.memory_space<vmem>> -> memref<10000xi32, #tpu.memory_space<vmem>>
      %dma_start3A_69 = tpu.memref_slice %arg4[%mul3A_8] : memref<640000xi32, #tpu.memory_space<hbm>> -> memref<10000xi32, #tpu.memory_space<hbm>>
      tpu.enqueue_dma source(%dma_start3A_69 : memref<10000xi32, #tpu.memory_space<hbm>>) target(%dma_start3A_68 : memref<10000xi32, #tpu.memory_space<vmem>>) target_semaphore(%run_scoped3A : memref<!tpu.dma_semaphore, #tpu.memory_space<semaphore_mem>>)
      %dma_wait3A = arith.constant 0 : i32
      %dma_wait3A_70 = tpu.memref_slice %arg6[%dma_wait3A] : memref<20000xi32, #tpu.memory_space<vmem>> -> memref<10000xi32, #tpu.memory_space<vmem>>
      %dma_wait3A_71 = tpu.memref_slice %arg4[%mul3A_8] : memref<640000xi32, #tpu.memory_space<hbm>> -> memref<10000xi32, #tpu.memory_space<hbm>>
      %dma_wait3A_72 = arith.constant 0 : i32
      %dma_wait3A_73 = tpu.memref_slice %arg6[%dma_wait3A_72] : memref<20000xi32, #tpu.memory_space<vmem>> -> memref<10000xi32, #tpu.memory_space<vmem>>
      %dma_wait3A_74 = tpu.memref_slice %arg4[%mul3A_8] : memref<640000xi32, #tpu.memory_space<hbm>> -> memref<10000xi32, #tpu.memory_space<hbm>>
      tpu.wait_dma2 semaphore(%run_scoped3A : memref<!tpu.dma_semaphore, #tpu.memory_space<semaphore_mem>>) src(%dma_wait3A_74 : memref<10000xi32, #tpu.memory_space<hbm>>) dst(%dma_wait3A_73 : memref<10000xi32, #tpu.memory_space<vmem>>)
      tpu.yield
    }) : () -> ()
    %add3A_9 = arith.constant 1 : i32
    %add3A_10 = arith.addi %mul3A_4, %add3A_9 : i32
    %mul3A_11 = arith.constant 10000 : i32
    %mul3A_12 = arith.muli %add3A_10, %mul3A_11 : i32
    "tpu.region"() ({
      %run_scoped3A = tpu.sem_alloc : memref<!tpu.dma_semaphore, #tpu.memory_space<semaphore_mem>>
      %dma_start3A_64 = arith.constant 10000 : i32
      %dma_start3A_65 = tpu.memref_slice %arg6[%dma_start3A_64] : memref<20000xi32, #tpu.memory_space<vmem>> -> memref<10000xi32, #tpu.memory_space<vmem>>
      %dma_start3A_66 = tpu.memref_slice %arg4[%mul3A_12] : memref<640000xi32, #tpu.memory_space<hbm>> -> memref<10000xi32, #tpu.memory_space<hbm>>
      %dma_start3A_67 = arith.constant 10000 : i32
      %dma_start3A_68 = tpu.memref_slice %arg6[%dma_start3A_67] : memref<20000xi32, #tpu.memory_space<vmem>> -> memref<10000xi32, #tpu.memory_space<vmem>>
      %dma_start3A_69 = tpu.memref_slice %arg4[%mul3A_12] : memref<640000xi32, #tpu.memory_space<hbm>> -> memref<10000xi32, #tpu.memory_space<hbm>>
      tpu.enqueue_dma source(%dma_start3A_69 : memref<10000xi32, #tpu.memory_space<hbm>>) target(%dma_start3A_68 : memref<10000xi32, #tpu.memory_space<vmem>>) target_semaphore(%run_scoped3A : memref<!tpu.dma_semaphore, #tpu.memory_space<semaphore_mem>>)
      %dma_wait3A = arith.constant 10000 : i32
      %dma_wait3A_70 = tpu.memref_slice %arg6[%dma_wait3A] : memref<20000xi32, #tpu.memory_space<vmem>> -> memref<10000xi32, #tpu.memory_space<vmem>>
      %dma_wait3A_71 = tpu.memref_slice %arg4[%mul3A_12] : memref<640000xi32, #tpu.memory_space<hbm>> -> memref<10000xi32, #tpu.memory_space<hbm>>
      %dma_wait3A_72 = arith.constant 10000 : i32
      %dma_wait3A_73 = tpu.memref_slice %arg6[%dma_wait3A_72] : memref<20000xi32, #tpu.memory_space<vmem>> -> memref<10000xi32, #tpu.memory_space<vmem>>
      %dma_wait3A_74 = tpu.memref_slice %arg4[%mul3A_12] : memref<640000xi32, #tpu.memory_space<hbm>> -> memref<10000xi32, #tpu.memory_space<hbm>>
      tpu.wait_dma2 semaphore(%run_scoped3A : memref<!tpu.dma_semaphore, #tpu.memory_space<semaphore_mem>>) src(%dma_wait3A_74 : memref<10000xi32, #tpu.memory_space<hbm>>) dst(%dma_wait3A_73 : memref<10000xi32, #tpu.memory_space<vmem>>)
      tpu.yield
    }) : () -> ()
    %broadcast_in_dim3A = arith.constant 0.000000e+00 : f32
    %broadcast_in_dim3A_13 = vector.broadcast %broadcast_in_dim3A : f32 to vector<16xf32>
    %parallel_loop3A = arith.constant 0 : i32
    %parallel_loop3A_14 = arith.constant 625 : i32
    %parallel_loop3A_15 = arith.constant 1 : i32
    scf.for %parallel_loop3A_64 = %parallel_loop3A to %parallel_loop3A_14 step %parallel_loop3A_15  : i32 {
      %parallel_loop3A_65 = arith.constant 16 : i32
      %parallel_loop3A_66 = arith.muli %parallel_loop3A_64, %parallel_loop3A_65 : i32
      %parallel_loop3A_67 = arith.constant 0 : i32
      %parallel_loop3A_68 = arith.addi %parallel_loop3A_67, %parallel_loop3A_66 : i32
      %parallel_loop3A_69 = arith.index_cast %parallel_loop3A_68 : i32 to index
      %parallel_loop3A_70 = tpu.vector_load %arg7[%parallel_loop3A_69] {strides = array<i32>} : memref<40000xf32, #tpu.memory_space<vmem>>, vector<16xf32>,
      tpu.vector_store %arg7[%parallel_loop3A_69], %broadcast_in_dim3A_13 {strides = array<i32>} : memref<40000xf32, #tpu.memory_space<vmem>>, vector<16xf32>,
      %parallel_loop3A_71 = arith.constant 16 : i32
      %parallel_loop3A_72 = arith.muli %parallel_loop3A_64, %parallel_loop3A_71 : i32
      %parallel_loop3A_73 = arith.constant 10000 : i32
      %parallel_loop3A_74 = arith.addi %parallel_loop3A_73, %parallel_loop3A_72 : i32
      %parallel_loop3A_75 = arith.index_cast %parallel_loop3A_74 : i32 to index
      %parallel_loop3A_76 = tpu.vector_load %arg7[%parallel_loop3A_75] {strides = array<i32>} : memref<40000xf32, #tpu.memory_space<vmem>>, vector<16xf32>,
      tpu.vector_store %arg7[%parallel_loop3A_75], %broadcast_in_dim3A_13 {strides = array<i32>} : memref<40000xf32, #tpu.memory_space<vmem>>, vector<16xf32>,
      %parallel_loop3A_77 = arith.constant 16 : i32
      %parallel_loop3A_78 = arith.muli %parallel_loop3A_64, %parallel_loop3A_77 : i32
      %parallel_loop3A_79 = arith.constant 20000 : i32
      %parallel_loop3A_80 = arith.addi %parallel_loop3A_79, %parallel_loop3A_78 : i32
      %parallel_loop3A_81 = arith.index_cast %parallel_loop3A_80 : i32 to index
      %parallel_loop3A_82 = tpu.vector_load %arg7[%parallel_loop3A_81] {strides = array<i32>} : memref<40000xf32, #tpu.memory_space<vmem>>, vector<16xf32>,
      tpu.vector_store %arg7[%parallel_loop3A_81], %broadcast_in_dim3A_13 {strides = array<i32>} : memref<40000xf32, #tpu.memory_space<vmem>>, vector<16xf32>,
      %parallel_loop3A_83 = arith.constant 16 : i32
      %parallel_loop3A_84 = arith.muli %parallel_loop3A_64, %parallel_loop3A_83 : i32
      %parallel_loop3A_85 = arith.constant 30000 : i32
      %parallel_loop3A_86 = arith.addi %parallel_loop3A_85, %parallel_loop3A_84 : i32
      %parallel_loop3A_87 = arith.index_cast %parallel_loop3A_86 : i32 to index
      %parallel_loop3A_88 = tpu.vector_load %arg7[%parallel_loop3A_87] {strides = array<i32>} : memref<40000xf32, #tpu.memory_space<vmem>>, vector<16xf32>,
      tpu.vector_store %arg7[%parallel_loop3A_87], %broadcast_in_dim3A_13 {strides = array<i32>} : memref<40000xf32, #tpu.memory_space<vmem>>, vector<16xf32>,
    } {sc.loop_unroll_factor = 8 : i64, sc.parallel_access}
    %dma_start3A = arith.constant 0 : i32
    %dma_start3A_16 = arith.constant 0 : i32
    %dma_start3A_17 = arith.constant 0 : i32
    %dma_start3A_18 = tpu.memref_slice %arg8[%dma_start3A, %dma_start3A_17] : memref<2x6400xi32, #tpu.memory_space<vmem>> -> memref<1x6400xi32, #tpu.memory_space<vmem>>
    %dma_start3A_19 = tpu.memref_squeeze %dma_start3A_18 : memref<1x6400xi32, #tpu.memory_space<vmem>> -> memref<6400xi32, #tpu.memory_space<vmem>>
    %dma_start3A_20 = arith.constant 0 : i32
    %dma_start3A_21 = tpu.memref_slice %arg2[%dma_start3A_20] : memref<320000xi32, #tpu.memory_space<hbm>> -> memref<6400xi32, #tpu.memory_space<hbm>>
    %dma_start3A_22 = tpu.memref_slice %arg10[%dma_start3A_16] : memref<2x!tpu.dma_semaphore, #tpu.memory_space<semaphore_mem>> -> memref<1x!tpu.dma_semaphore, #tpu.memory_space<semaphore_mem>>
    %dma_start3A_23 = tpu.memref_squeeze %dma_start3A_22 : memref<1x!tpu.dma_semaphore, #tpu.memory_space<semaphore_mem>> -> memref<!tpu.dma_semaphore, #tpu.memory_space<semaphore_mem>>
    %dma_start3A_24 = arith.constant 0 : i32
    %dma_start3A_25 = tpu.memref_slice %arg8[%dma_start3A, %dma_start3A_24] : memref<2x6400xi32, #tpu.memory_space<vmem>> -> memref<1x6400xi32, #tpu.memory_space<vmem>>
    %dma_start3A_26 = tpu.memref_squeeze %dma_start3A_25 : memref<1x6400xi32, #tpu.memory_space<vmem>> -> memref<6400xi32, #tpu.memory_space<vmem>>
    %dma_start3A_27 = arith.constant 0 : i32
    %dma_start3A_28 = tpu.memref_slice %arg2[%dma_start3A_27] : memref<320000xi32, #tpu.memory_space<hbm>> -> memref<6400xi32, #tpu.memory_space<hbm>>
    tpu.enqueue_dma source(%dma_start3A_28 : memref<6400xi32, #tpu.memory_space<hbm>>) target(%dma_start3A_26 : memref<6400xi32, #tpu.memory_space<vmem>>) target_semaphore(%dma_start3A_23 : memref<!tpu.dma_semaphore, #tpu.memory_space<semaphore_mem>>)
    %dma_start3A_29 = arith.constant 0 : i32
    %dma_start3A_30 = arith.constant 0 : i32
    %dma_start3A_31 = arith.constant 0 : i32
    %dma_start3A_32 = tpu.memref_slice %arg9[%dma_start3A_29, %dma_start3A_31] : memref<2x6400xf32, #tpu.memory_space<vmem>> -> memref<1x6400xf32, #tpu.memory_space<vmem>>
    %dma_start3A_33 = tpu.memref_squeeze %dma_start3A_32 : memref<1x6400xf32, #tpu.memory_space<vmem>> -> memref<6400xf32, #tpu.memory_space<vmem>>
    %dma_start3A_34 = arith.constant 0 : i32
    %dma_start3A_35 = tpu.memref_slice %arg3[%dma_start3A_34] : memref<320000xf32, #tpu.memory_space<hbm>> -> memref<6400xf32, #tpu.memory_space<hbm>>
    %dma_start3A_36 = tpu.memref_slice %arg11[%dma_start3A_30] : memref<2x!tpu.dma_semaphore, #tpu.memory_space<semaphore_mem>> -> memref<1x!tpu.dma_semaphore, #tpu.memory_space<semaphore_mem>>
    %dma_start3A_37 = tpu.memref_squeeze %dma_start3A_36 : memref<1x!tpu.dma_semaphore, #tpu.memory_space<semaphore_mem>> -> memref<!tpu.dma_semaphore, #tpu.memory_space<semaphore_mem>>
    %dma_start3A_38 = arith.constant 0 : i32
    %dma_start3A_39 = tpu.memref_slice %arg9[%dma_start3A_29, %dma_start3A_38] : memref<2x6400xf32, #tpu.memory_space<vmem>> -> memref<1x6400xf32, #tpu.memory_space<vmem>>
    %dma_start3A_40 = tpu.memref_squeeze %dma_start3A_39 : memref<1x6400xf32, #tpu.memory_space<vmem>> -> memref<6400xf32, #tpu.memory_space<vmem>>
    %dma_start3A_41 = arith.constant 0 : i32
    %dma_start3A_42 = tpu.memref_slice %arg3[%dma_start3A_41] : memref<320000xf32, #tpu.memory_space<hbm>> -> memref<6400xf32, #tpu.memory_space<hbm>>
    tpu.enqueue_dma source(%dma_start3A_42 : memref<6400xf32, #tpu.memory_space<hbm>>) target(%dma_start3A_40 : memref<6400xf32, #tpu.memory_space<vmem>>) target_semaphore(%dma_start3A_37 : memref<!tpu.dma_semaphore, #tpu.memory_space<semaphore_mem>>)
    %scan3A = arith.constant 0 : i32
    %scan3A_43 = arith.constant 0 : i32
    %scan3A_44 = arith.constant 50 : i32
    %scan3A_45 = arith.addi %scan3A_43, %scan3A_44 : i32
    %scan3A_46 = arith.constant 1 : i32
    scf.for %scan3A_64 = %scan3A_43 to %scan3A_45 step %scan3A_46  : i32 {
      %rem3A = arith.constant 2 : i32
      %rem3A_65 = arith.remsi %scan3A_64, %rem3A : i32
      %sub3A = arith.constant 1 : i32
      %sub3A_66 = arith.subi %sub3A, %rem3A_65 : i32
      %add3A_67 = arith.constant 1 : i32
      %add3A_68 = arith.addi %scan3A_64, %add3A_67 : i32
      %lt3A = arith.constant 50 : i32
      %lt3A_69 = arith.cmpi slt, %add3A_68, %lt3A : i32
      %convert_element_type3A = arith.extui %lt3A_69 : i1 to i32
      %cond3A = arith.constant 0 : i32
      %cond3A_70 = arith.cmpi ne, %convert_element_type3A, %cond3A : i32
      scf.if %cond3A_70 {
        %add3A_97 = arith.constant 1 : i32
        %add3A_98 = arith.addi %scan3A_64, %add3A_97 : i32
        %mul3A_99 = arith.constant 6400 : i32
        %mul3A_100 = arith.muli %add3A_98, %mul3A_99 : i32
        %dma_start3A_101 = arith.constant 0 : i32
        %dma_start3A_102 = tpu.memref_slice %arg8[%sub3A_66, %dma_start3A_101] : memref<2x6400xi32, #tpu.memory_space<vmem>> -> memref<1x6400xi32, #tpu.memory_space<vmem>>
        %dma_start3A_103 = tpu.memref_squeeze %dma_start3A_102 : memref<1x6400xi32, #tpu.memory_space<vmem>> -> memref<6400xi32, #tpu.memory_space<vmem>>
        %dma_start3A_104 = tpu.memref_slice %arg2[%mul3A_100] : memref<320000xi32, #tpu.memory_space<hbm>> -> memref<6400xi32, #tpu.memory_space<hbm>>
        %dma_start3A_105 = tpu.memref_slice %arg10[%sub3A_66] : memref<2x!tpu.dma_semaphore, #tpu.memory_space<semaphore_mem>> -> memref<1x!tpu.dma_semaphore, #tpu.memory_space<semaphore_mem>>
        %dma_start3A_106 = tpu.memref_squeeze %dma_start3A_105 : memref<1x!tpu.dma_semaphore, #tpu.memory_space<semaphore_mem>> -> memref<!tpu.dma_semaphore, #tpu.memory_space<semaphore_mem>>
        %dma_start3A_107 = arith.constant 0 : i32
        %dma_start3A_108 = tpu.memref_slice %arg8[%sub3A_66, %dma_start3A_107] : memref<2x6400xi32, #tpu.memory_space<vmem>> -> memref<1x6400xi32, #tpu.memory_space<vmem>>
        %dma_start3A_109 = tpu.memref_squeeze %dma_start3A_108 : memref<1x6400xi32, #tpu.memory_space<vmem>> -> memref<6400xi32, #tpu.memory_space<vmem>>
        %dma_start3A_110 = tpu.memref_slice %arg2[%mul3A_100] : memref<320000xi32, #tpu.memory_space<hbm>> -> memref<6400xi32, #tpu.memory_space<hbm>>
        tpu.enqueue_dma source(%dma_start3A_110 : memref<6400xi32, #tpu.memory_space<hbm>>) target(%dma_start3A_109 : memref<6400xi32, #tpu.memory_space<vmem>>) target_semaphore(%dma_start3A_106 : memref<!tpu.dma_semaphore, #tpu.memory_space<semaphore_mem>>)
        %dma_start3A_111 = arith.constant 0 : i32
        %dma_start3A_112 = tpu.memref_slice %arg9[%sub3A_66, %dma_start3A_111] : memref<2x6400xf32, #tpu.memory_space<vmem>> -> memref<1x6400xf32, #tpu.memory_space<vmem>>
        %dma_start3A_113 = tpu.memref_squeeze %dma_start3A_112 : memref<1x6400xf32, #tpu.memory_space<vmem>> -> memref<6400xf32, #tpu.memory_space<vmem>>
        %dma_start3A_114 = tpu.memref_slice %arg3[%mul3A_100] : memref<320000xf32, #tpu.memory_space<hbm>> -> memref<6400xf32, #tpu.memory_space<hbm>>
        %dma_start3A_115 = tpu.memref_slice %arg11[%sub3A_66] : memref<2x!tpu.dma_semaphore, #tpu.memory_space<semaphore_mem>> -> memref<1x!tpu.dma_semaphore, #tpu.memory_space<semaphore_mem>>
        %dma_start3A_116 = tpu.memref_squeeze %dma_start3A_115 : memref<1x!tpu.dma_semaphore, #tpu.memory_space<semaphore_mem>> -> memref<!tpu.dma_semaphore, #tpu.memory_space<semaphore_mem>>
        %dma_start3A_117 = arith.constant 0 : i32
        %dma_start3A_118 = tpu.memref_slice %arg9[%sub3A_66, %dma_start3A_117] : memref<2x6400xf32, #tpu.memory_space<vmem>> -> memref<1x6400xf32, #tpu.memory_space<vmem>>
        %dma_start3A_119 = tpu.memref_squeeze %dma_start3A_118 : memref<1x6400xf32, #tpu.memory_space<vmem>> -> memref<6400xf32, #tpu.memory_space<vmem>>
        %dma_start3A_120 = tpu.memref_slice %arg3[%mul3A_100] : memref<320000xf32, #tpu.memory_space<hbm>> -> memref<6400xf32, #tpu.memory_space<hbm>>
        tpu.enqueue_dma source(%dma_start3A_120 : memref<6400xf32, #tpu.memory_space<hbm>>) target(%dma_start3A_119 : memref<6400xf32, #tpu.memory_space<vmem>>) target_semaphore(%dma_start3A_116 : memref<!tpu.dma_semaphore, #tpu.memory_space<semaphore_mem>>)
      } else {
      }
      %dma_wait3A = arith.constant 0 : i32
      %dma_wait3A_71 = tpu.memref_slice %arg8[%rem3A_65, %dma_wait3A] : memref<2x6400xi32, #tpu.memory_space<vmem>> -> memref<1x6400xi32, #tpu.memory_space<vmem>>
      %dma_wait3A_72 = tpu.memref_squeeze %dma_wait3A_71 : memref<1x6400xi32, #tpu.memory_space<vmem>> -> memref<6400xi32, #tpu.memory_space<vmem>>
      %dma_wait3A_73 = arith.constant 0 : i32
      %dma_wait3A_74 = tpu.memref_slice %arg2[%dma_wait3A_73] : memref<320000xi32, #tpu.memory_space<hbm>> -> memref<6400xi32, #tpu.memory_space<hbm>>
      %dma_wait3A_75 = tpu.memref_slice %arg10[%rem3A_65] : memref<2x!tpu.dma_semaphore, #tpu.memory_space<semaphore_mem>> -> memref<1x!tpu.dma_semaphore, #tpu.memory_space<semaphore_mem>>
      %dma_wait3A_76 = tpu.memref_squeeze %dma_wait3A_75 : memref<1x!tpu.dma_semaphore, #tpu.memory_space<semaphore_mem>> -> memref<!tpu.dma_semaphore, #tpu.memory_space<semaphore_mem>>
      %dma_wait3A_77 = arith.constant 0 : i32
      %dma_wait3A_78 = tpu.memref_slice %arg8[%rem3A_65, %dma_wait3A_77] : memref<2x6400xi32, #tpu.memory_space<vmem>> -> memref<1x6400xi32, #tpu.memory_space<vmem>>
      %dma_wait3A_79 = tpu.memref_squeeze %dma_wait3A_78 : memref<1x6400xi32, #tpu.memory_space<vmem>> -> memref<6400xi32, #tpu.memory_space<vmem>>
      %dma_wait3A_80 = arith.constant 0 : i32
      %dma_wait3A_81 = tpu.memref_slice %arg2[%dma_wait3A_80] : memref<320000xi32, #tpu.memory_space<hbm>> -> memref<6400xi32, #tpu.memory_space<hbm>>
      tpu.wait_dma2 semaphore(%dma_wait3A_76 : memref<!tpu.dma_semaphore, #tpu.memory_space<semaphore_mem>>) src(%dma_wait3A_81 : memref<6400xi32, #tpu.memory_space<hbm>>) dst(%dma_wait3A_79 : memref<6400xi32, #tpu.memory_space<vmem>>)
      %dma_wait3A_82 = arith.constant 0 : i32
      %dma_wait3A_83 = tpu.memref_slice %arg9[%rem3A_65, %dma_wait3A_82] : memref<2x6400xf32, #tpu.memory_space<vmem>> -> memref<1x6400xf32, #tpu.memory_space<vmem>>
      %dma_wait3A_84 = tpu.memref_squeeze %dma_wait3A_83 : memref<1x6400xf32, #tpu.memory_space<vmem>> -> memref<6400xf32, #tpu.memory_space<vmem>>
      %dma_wait3A_85 = arith.constant 0 : i32
      %dma_wait3A_86 = tpu.memref_slice %arg3[%dma_wait3A_85] : memref<320000xf32, #tpu.memory_space<hbm>> -> memref<6400xf32, #tpu.memory_space<hbm>>
      %dma_wait3A_87 = tpu.memref_slice %arg11[%rem3A_65] : memref<2x!tpu.dma_semaphore, #tpu.memory_space<semaphore_mem>> -> memref<1x!tpu.dma_semaphore, #tpu.memory_space<semaphore_mem>>
      %dma_wait3A_88 = tpu.memref_squeeze %dma_wait3A_87 : memref<1x!tpu.dma_semaphore, #tpu.memory_space<semaphore_mem>> -> memref<!tpu.dma_semaphore, #tpu.memory_space<semaphore_mem>>
      %dma_wait3A_89 = arith.constant 0 : i32
      %dma_wait3A_90 = tpu.memref_slice %arg9[%rem3A_65, %dma_wait3A_89] : memref<2x6400xf32, #tpu.memory_space<vmem>> -> memref<1x6400xf32, #tpu.memory_space<vmem>>
      %dma_wait3A_91 = tpu.memref_squeeze %dma_wait3A_90 : memref<1x6400xf32, #tpu.memory_space<vmem>> -> memref<6400xf32, #tpu.memory_space<vmem>>
      %dma_wait3A_92 = arith.constant 0 : i32
      %dma_wait3A_93 = tpu.memref_slice %arg3[%dma_wait3A_92] : memref<320000xf32, #tpu.memory_space<hbm>> -> memref<6400xf32, #tpu.memory_space<hbm>>
      tpu.wait_dma2 semaphore(%dma_wait3A_88 : memref<!tpu.dma_semaphore, #tpu.memory_space<semaphore_mem>>) src(%dma_wait3A_93 : memref<6400xf32, #tpu.memory_space<hbm>>) dst(%dma_wait3A_91 : memref<6400xf32, #tpu.memory_space<vmem>>)
      %parallel_loop3A_94 = arith.constant 0 : i32
      %parallel_loop3A_95 = arith.constant 400 : i32
      %parallel_loop3A_96 = arith.constant 1 : i32
      scf.for %parallel_loop3A_97 = %parallel_loop3A_94 to %parallel_loop3A_95 step %parallel_loop3A_96  : i32 {
        %parallel_loop3A_98 = arith.constant 16 : i32
        %parallel_loop3A_99 = arith.muli %parallel_loop3A_97, %parallel_loop3A_98 : i32
        %parallel_loop3A_100 = arith.index_cast %rem3A_65 : i32 to index
        %parallel_loop3A_101 = arith.index_cast %parallel_loop3A_99 : i32 to index
        %parallel_loop3A_102 = tpu.vector_load %arg8[%parallel_loop3A_100, %parallel_loop3A_101] {strides = array<i32>} : memref<2x6400xi32, #tpu.memory_space<vmem>>, vector<16xi32>,
        %parallel_loop3A_103 = arith.constant 16 : i32
        %parallel_loop3A_104 = vector.broadcast %parallel_loop3A_103 : i32 to vector<16xi32>
        %parallel_loop3A_105 = arith.shrui %parallel_loop3A_102, %parallel_loop3A_104 : vector<16xi32>
        %parallel_loop3A_106 = arith.constant 65535 : i32
        %parallel_loop3A_107 = vector.broadcast %parallel_loop3A_106 : i32 to vector<16xi32>
        %parallel_loop3A_108 = arith.andi %parallel_loop3A_102, %parallel_loop3A_107 : vector<16xi32>
        %parallel_loop3A_109 = arith.index_cast %rem3A_65 : i32 to index
        %parallel_loop3A_110 = arith.index_cast %parallel_loop3A_99 : i32 to index
        %parallel_loop3A_111 = tpu.vector_load %arg9[%parallel_loop3A_109, %parallel_loop3A_110] {strides = array<i32>} : memref<2x6400xf32, #tpu.memory_space<vmem>>, vector<16xf32>,
        %parallel_loop3A_112 = arith.constant 0 : i32
        %parallel_loop3A_113 = tpu.memref_slice %arg6[%parallel_loop3A_112] : memref<20000xi32, #tpu.memory_space<vmem>> -> memref<10000xi32, #tpu.memory_space<vmem>>
        %parallel_loop3A_114 = tpu.vector_load_idx %parallel_loop3A_113[%parallel_loop3A_108] : memref<10000xi32, #tpu.memory_space<vmem>>[vector<16xi32>], vector<16xi32>,
        %parallel_loop3A_115 = arith.constant 16 : i32
        %parallel_loop3A_116 = vector.broadcast %parallel_loop3A_115 : i32 to vector<16xi32>
        %parallel_loop3A_117 = arith.shli %parallel_loop3A_114, %parallel_loop3A_116 : vector<16xi32>
        %parallel_loop3A_118 = vector.bitcast %parallel_loop3A_117 : vector<16xi32> to vector<16xf32>
        %parallel_loop3A_119 = arith.constant -65536 : i32
        %parallel_loop3A_120 = vector.broadcast %parallel_loop3A_119 : i32 to vector<16xi32>
        %parallel_loop3A_121 = arith.andi %parallel_loop3A_114, %parallel_loop3A_120 : vector<16xi32>
        %parallel_loop3A_122 = vector.bitcast %parallel_loop3A_121 : vector<16xi32> to vector<16xf32>
        %parallel_loop3A_123 = arith.mulf %parallel_loop3A_111, %parallel_loop3A_118 : vector<16xf32>
        %parallel_loop3A_124 = arith.constant 0 : i32
        %parallel_loop3A_125 = tpu.memref_slice %arg7[%parallel_loop3A_124] : memref<40000xf32, #tpu.memory_space<vmem>> -> memref<10000xf32, #tpu.memory_space<vmem>>
        tpu.vector_store_idx %parallel_loop3A_125[%parallel_loop3A_105], %parallel_loop3A_123 {add = true} : memref<10000xf32, #tpu.memory_space<vmem>>[vector<16xi32>], vector<16xf32>,
        %parallel_loop3A_126 = arith.mulf %parallel_loop3A_111, %parallel_loop3A_122 : vector<16xf32>
        %parallel_loop3A_127 = arith.constant 10000 : i32
        %parallel_loop3A_128 = tpu.memref_slice %arg7[%parallel_loop3A_127] : memref<40000xf32, #tpu.memory_space<vmem>> -> memref<10000xf32, #tpu.memory_space<vmem>>
        tpu.vector_store_idx %parallel_loop3A_128[%parallel_loop3A_105], %parallel_loop3A_126 {add = true} : memref<10000xf32, #tpu.memory_space<vmem>>[vector<16xi32>], vector<16xf32>,
        %parallel_loop3A_129 = arith.constant 10000 : i32
        %parallel_loop3A_130 = tpu.memref_slice %arg6[%parallel_loop3A_129] : memref<20000xi32, #tpu.memory_space<vmem>> -> memref<10000xi32, #tpu.memory_space<vmem>>
        %parallel_loop3A_131 = tpu.vector_load_idx %parallel_loop3A_130[%parallel_loop3A_108] : memref<10000xi32, #tpu.memory_space<vmem>>[vector<16xi32>], vector<16xi32>,
        %parallel_loop3A_132 = arith.constant 16 : i32
        %parallel_loop3A_133 = vector.broadcast %parallel_loop3A_132 : i32 to vector<16xi32>
        %parallel_loop3A_134 = arith.shli %parallel_loop3A_131, %parallel_loop3A_133 : vector<16xi32>
        %parallel_loop3A_135 = vector.bitcast %parallel_loop3A_134 : vector<16xi32> to vector<16xf32>
        %parallel_loop3A_136 = arith.constant -65536 : i32
        %parallel_loop3A_137 = vector.broadcast %parallel_loop3A_136 : i32 to vector<16xi32>
        %parallel_loop3A_138 = arith.andi %parallel_loop3A_131, %parallel_loop3A_137 : vector<16xi32>
        %parallel_loop3A_139 = vector.bitcast %parallel_loop3A_138 : vector<16xi32> to vector<16xf32>
        %parallel_loop3A_140 = arith.mulf %parallel_loop3A_111, %parallel_loop3A_135 : vector<16xf32>
        %parallel_loop3A_141 = arith.constant 20000 : i32
        %parallel_loop3A_142 = tpu.memref_slice %arg7[%parallel_loop3A_141] : memref<40000xf32, #tpu.memory_space<vmem>> -> memref<10000xf32, #tpu.memory_space<vmem>>
        tpu.vector_store_idx %parallel_loop3A_142[%parallel_loop3A_105], %parallel_loop3A_140 {add = true} : memref<10000xf32, #tpu.memory_space<vmem>>[vector<16xi32>], vector<16xf32>,
        %parallel_loop3A_143 = arith.mulf %parallel_loop3A_111, %parallel_loop3A_139 : vector<16xf32>
        %parallel_loop3A_144 = arith.constant 30000 : i32
        %parallel_loop3A_145 = tpu.memref_slice %arg7[%parallel_loop3A_144] : memref<40000xf32, #tpu.memory_space<vmem>> -> memref<10000xf32, #tpu.memory_space<vmem>>
        tpu.vector_store_idx %parallel_loop3A_145[%parallel_loop3A_105], %parallel_loop3A_143 {add = true} : memref<10000xf32, #tpu.memory_space<vmem>>[vector<16xi32>], vector<16xf32>,
      } {sc.loop_unroll_factor = 8 : i64, sc.parallel_access}
    }
    %scan3A_47 = arith.constant 50 : i32
    %add3A_48 = arith.constant 0 : i32
    %add3A_49 = arith.addi %mul3A_2, %add3A_48 : i32
    %mul3A_50 = arith.constant 10000 : i32
    %mul3A_51 = arith.muli %add3A_49, %mul3A_50 : i32
    "tpu.region"() ({
      %run_scoped3A = tpu.sem_alloc : memref<!tpu.dma_semaphore, #tpu.memory_space<semaphore_mem>>
      %dma_start3A_64 = arith.constant 0 : i32
      %dma_start3A_65 = tpu.memref_slice %arg7[%dma_start3A_64] : memref<40000xf32, #tpu.memory_space<vmem>> -> memref<10000xf32, #tpu.memory_space<vmem>>
      %dma_start3A_66 = tpu.memref_slice %arg5[%mul3A_51] : memref<1280000xf32, #tpu.memory_space<hbm>> -> memref<10000xf32, #tpu.memory_space<hbm>>
      %dma_start3A_67 = tpu.memref_slice %arg5[%mul3A_51] : memref<1280000xf32, #tpu.memory_space<hbm>> -> memref<10000xf32, #tpu.memory_space<hbm>>
      %dma_start3A_68 = arith.constant 0 : i32
      %dma_start3A_69 = tpu.memref_slice %arg7[%dma_start3A_68] : memref<40000xf32, #tpu.memory_space<vmem>> -> memref<10000xf32, #tpu.memory_space<vmem>>
      tpu.enqueue_dma source(%dma_start3A_69 : memref<10000xf32, #tpu.memory_space<vmem>>) target(%dma_start3A_67 : memref<10000xf32, #tpu.memory_space<hbm>>) target_semaphore(%run_scoped3A : memref<!tpu.dma_semaphore, #tpu.memory_space<semaphore_mem>>)
      %dma_wait3A = arith.constant 0 : i32
      %dma_wait3A_70 = tpu.memref_slice %arg7[%dma_wait3A] : memref<40000xf32, #tpu.memory_space<vmem>> -> memref<10000xf32, #tpu.memory_space<vmem>>
      %dma_wait3A_71 = tpu.memref_slice %arg5[%mul3A_51] : memref<1280000xf32, #tpu.memory_space<hbm>> -> memref<10000xf32, #tpu.memory_space<hbm>>
      %dma_wait3A_72 = tpu.memref_slice %arg5[%mul3A_51] : memref<1280000xf32, #tpu.memory_space<hbm>> -> memref<10000xf32, #tpu.memory_space<hbm>>
      %dma_wait3A_73 = arith.constant 0 : i32
      %dma_wait3A_74 = tpu.memref_slice %arg7[%dma_wait3A_73] : memref<40000xf32, #tpu.memory_space<vmem>> -> memref<10000xf32, #tpu.memory_space<vmem>>
      tpu.wait_dma2 semaphore(%run_scoped3A : memref<!tpu.dma_semaphore, #tpu.memory_space<semaphore_mem>>) src(%dma_wait3A_74 : memref<10000xf32, #tpu.memory_space<vmem>>) dst(%dma_wait3A_72 : memref<10000xf32, #tpu.memory_space<hbm>>)
      tpu.yield
    }) : () -> ()
    %add3A_52 = arith.constant 1 : i32
    %add3A_53 = arith.addi %mul3A_2, %add3A_52 : i32
    %mul3A_54 = arith.constant 10000 : i32
    %mul3A_55 = arith.muli %add3A_53, %mul3A_54 : i32
    "tpu.region"() ({
      %run_scoped3A = tpu.sem_alloc : memref<!tpu.dma_semaphore, #tpu.memory_space<semaphore_mem>>
      %dma_start3A_64 = arith.constant 10000 : i32
      %dma_start3A_65 = tpu.memref_slice %arg7[%dma_start3A_64] : memref<40000xf32, #tpu.memory_space<vmem>> -> memref<10000xf32, #tpu.memory_space<vmem>>
      %dma_start3A_66 = tpu.memref_slice %arg5[%mul3A_55] : memref<1280000xf32, #tpu.memory_space<hbm>> -> memref<10000xf32, #tpu.memory_space<hbm>>
      %dma_start3A_67 = tpu.memref_slice %arg5[%mul3A_55] : memref<1280000xf32, #tpu.memory_space<hbm>> -> memref<10000xf32, #tpu.memory_space<hbm>>
      %dma_start3A_68 = arith.constant 10000 : i32
      %dma_start3A_69 = tpu.memref_slice %arg7[%dma_start3A_68] : memref<40000xf32, #tpu.memory_space<vmem>> -> memref<10000xf32, #tpu.memory_space<vmem>>
      tpu.enqueue_dma source(%dma_start3A_69 : memref<10000xf32, #tpu.memory_space<vmem>>) target(%dma_start3A_67 : memref<10000xf32, #tpu.memory_space<hbm>>) target_semaphore(%run_scoped3A : memref<!tpu.dma_semaphore, #tpu.memory_space<semaphore_mem>>)
      %dma_wait3A = arith.constant 10000 : i32
      %dma_wait3A_70 = tpu.memref_slice %arg7[%dma_wait3A] : memref<40000xf32, #tpu.memory_space<vmem>> -> memref<10000xf32, #tpu.memory_space<vmem>>
      %dma_wait3A_71 = tpu.memref_slice %arg5[%mul3A_55] : memref<1280000xf32, #tpu.memory_space<hbm>> -> memref<10000xf32, #tpu.memory_space<hbm>>
      %dma_wait3A_72 = tpu.memref_slice %arg5[%mul3A_55] : memref<1280000xf32, #tpu.memory_space<hbm>> -> memref<10000xf32, #tpu.memory_space<hbm>>
      %dma_wait3A_73 = arith.constant 10000 : i32
      %dma_wait3A_74 = tpu.memref_slice %arg7[%dma_wait3A_73] : memref<40000xf32, #tpu.memory_space<vmem>> -> memref<10000xf32, #tpu.memory_space<vmem>>
      tpu.wait_dma2 semaphore(%run_scoped3A : memref<!tpu.dma_semaphore, #tpu.memory_space<semaphore_mem>>) src(%dma_wait3A_74 : memref<10000xf32, #tpu.memory_space<vmem>>) dst(%dma_wait3A_72 : memref<10000xf32, #tpu.memory_space<hbm>>)
      tpu.yield
    }) : () -> ()
    %add3A_56 = arith.constant 2 : i32
    %add3A_57 = arith.addi %mul3A_2, %add3A_56 : i32
    %mul3A_58 = arith.constant 10000 : i32
    %mul3A_59 = arith.muli %add3A_57, %mul3A_58 : i32
    "tpu.region"() ({
      %run_scoped3A = tpu.sem_alloc : memref<!tpu.dma_semaphore, #tpu.memory_space<semaphore_mem>>
      %dma_start3A_64 = arith.constant 20000 : i32
      %dma_start3A_65 = tpu.memref_slice %arg7[%dma_start3A_64] : memref<40000xf32, #tpu.memory_space<vmem>> -> memref<10000xf32, #tpu.memory_space<vmem>>
      %dma_start3A_66 = tpu.memref_slice %arg5[%mul3A_59] : memref<1280000xf32, #tpu.memory_space<hbm>> -> memref<10000xf32, #tpu.memory_space<hbm>>
      %dma_start3A_67 = tpu.memref_slice %arg5[%mul3A_59] : memref<1280000xf32, #tpu.memory_space<hbm>> -> memref<10000xf32, #tpu.memory_space<hbm>>
      %dma_start3A_68 = arith.constant 20000 : i32
      %dma_start3A_69 = tpu.memref_slice %arg7[%dma_start3A_68] : memref<40000xf32, #tpu.memory_space<vmem>> -> memref<10000xf32, #tpu.memory_space<vmem>>
      tpu.enqueue_dma source(%dma_start3A_69 : memref<10000xf32, #tpu.memory_space<vmem>>) target(%dma_start3A_67 : memref<10000xf32, #tpu.memory_space<hbm>>) target_semaphore(%run_scoped3A : memref<!tpu.dma_semaphore, #tpu.memory_space<semaphore_mem>>)
      %dma_wait3A = arith.constant 20000 : i32
      %dma_wait3A_70 = tpu.memref_slice %arg7[%dma_wait3A] : memref<40000xf32, #tpu.memory_space<vmem>> -> memref<10000xf32, #tpu.memory_space<vmem>>
      %dma_wait3A_71 = tpu.memref_slice %arg5[%mul3A_59] : memref<1280000xf32, #tpu.memory_space<hbm>> -> memref<10000xf32, #tpu.memory_space<hbm>>
      %dma_wait3A_72 = tpu.memref_slice %arg5[%mul3A_59] : memref<1280000xf32, #tpu.memory_space<hbm>> -> memref<10000xf32, #tpu.memory_space<hbm>>
      %dma_wait3A_73 = arith.constant 20000 : i32
      %dma_wait3A_74 = tpu.memref_slice %arg7[%dma_wait3A_73] : memref<40000xf32, #tpu.memory_space<vmem>> -> memref<10000xf32, #tpu.memory_space<vmem>>
      tpu.wait_dma2 semaphore(%run_scoped3A : memref<!tpu.dma_semaphore, #tpu.memory_space<semaphore_mem>>) src(%dma_wait3A_74 : memref<10000xf32, #tpu.memory_space<vmem>>) dst(%dma_wait3A_72 : memref<10000xf32, #tpu.memory_space<hbm>>)
      tpu.yield
    }) : () -> ()
    %add3A_60 = arith.constant 3 : i32
    %add3A_61 = arith.addi %mul3A_2, %add3A_60 : i32
    %mul3A_62 = arith.constant 10000 : i32
    %mul3A_63 = arith.muli %add3A_61, %mul3A_62 : i32
    "tpu.region"() ({
      %run_scoped3A = tpu.sem_alloc : memref<!tpu.dma_semaphore, #tpu.memory_space<semaphore_mem>>
      %dma_start3A_64 = arith.constant 30000 : i32
      %dma_start3A_65 = tpu.memref_slice %arg7[%dma_start3A_64] : memref<40000xf32, #tpu.memory_space<vmem>> -> memref<10000xf32, #tpu.memory_space<vmem>>
      %dma_start3A_66 = tpu.memref_slice %arg5[%mul3A_63] : memref<1280000xf32, #tpu.memory_space<hbm>> -> memref<10000xf32, #tpu.memory_space<hbm>>
      %dma_start3A_67 = tpu.memref_slice %arg5[%mul3A_63] : memref<1280000xf32, #tpu.memory_space<hbm>> -> memref<10000xf32, #tpu.memory_space<hbm>>
      %dma_start3A_68 = arith.constant 30000 : i32
      %dma_start3A_69 = tpu.memref_slice %arg7[%dma_start3A_68] : memref<40000xf32, #tpu.memory_space<vmem>> -> memref<10000xf32, #tpu.memory_space<vmem>>
      tpu.enqueue_dma source(%dma_start3A_69 : memref<10000xf32, #tpu.memory_space<vmem>>) target(%dma_start3A_67 : memref<10000xf32, #tpu.memory_space<hbm>>) target_semaphore(%run_scoped3A : memref<!tpu.dma_semaphore, #tpu.memory_space<semaphore_mem>>)
      %dma_wait3A = arith.constant 30000 : i32
      %dma_wait3A_70 = tpu.memref_slice %arg7[%dma_wait3A] : memref<40000xf32, #tpu.memory_space<vmem>> -> memref<10000xf32, #tpu.memory_space<vmem>>
      %dma_wait3A_71 = tpu.memref_slice %arg5[%mul3A_63] : memref<1280000xf32, #tpu.memory_space<hbm>> -> memref<10000xf32, #tpu.memory_space<hbm>>
      %dma_wait3A_72 = tpu.memref_slice %arg5[%mul3A_63] : memref<1280000xf32, #tpu.memory_space<hbm>> -> memref<10000xf32, #tpu.memory_space<hbm>>
      %dma_wait3A_73 = arith.constant 30000 : i32
      %dma_wait3A_74 = tpu.memref_slice %arg7[%dma_wait3A_73] : memref<40000xf32, #tpu.memory_space<vmem>> -> memref<10000xf32, #tpu.memory_space<vmem>>
      tpu.wait_dma2 semaphore(%run_scoped3A : memref<!tpu.dma_semaphore, #tpu.memory_space<semaphore_mem>>) src(%dma_wait3A_74 : memref<10000xf32, #tpu.memory_space<vmem>>) dst(%dma_wait3A_72 : memref<10000xf32, #tpu.memory_space<hbm>>)
      tpu.yield
    }) : () -> ()
    return
  }
}

module attributes {stable_mosaic.version = 14 : i64} {
  func.func @_tc_project(%arg0: memref<10000x128xf32, #tpu.memory_space<vmem>>, %arg1: memref<128x10000xf32, #tpu.memory_space<vmem>>, %arg2: memref<2x320000xi32, #tpu.memory_space<vmem>>, %arg3: memref<64x128xf32, #tpu.memory_space<vmem>>, %arg4: memref<64x128xf32, #tpu.memory_space<vmem>>, %arg5: memref<64xf32, #tpu.memory_space<vmem>>, %arg6: memref<64xf32, #tpu.memory_space<vmem>>, %arg7: memref<64xf32, #tpu.memory_space<vmem>>, %arg8: memref<64xf32, #tpu.memory_space<vmem>>, %arg9: memref<64xf32, #tpu.memory_space<vmem>>, %arg10: memref<64xf32, #tpu.memory_space<vmem>>, %arg11: memref<1x1xf32, #tpu.memory_space<vmem>>, %arg12: memref<10000xf32, #tpu.memory_space<vmem>>, %arg13: memref<10000xf32, #tpu.memory_space<vmem>>, %arg14: memref<64x10000xi32, #tpu.memory_space<vmem>>, %arg15: memref<320000xi32, #tpu.memory_space<vmem>>) attributes {dimension_semantics = [], scalar_prefetch = 0 : i64, scratch_operands = 0 : i64, tpu.core_type = #tpu.core_type<tc>} {
    %get3A = arith.constant 0 : index
    %get3A_0 = arith.constant 0 : index
    %get3A_1 = vector.load %arg1[%get3A, %get3A_0] : memref<128x10000xf32, #tpu.memory_space<vmem>>, vector<128x10000xf32>
    %get3A_2 = arith.constant 0 : index
    %get3A_3 = arith.constant 0 : index
    %get3A_4 = vector.load %arg3[%get3A_2, %get3A_3] : memref<64x128xf32, #tpu.memory_space<vmem>>, vector<64x128xf32>
    %dot_general3A = arith.constant dense<0.000000e+00> : vector<64x10000xf32>
    %dot_general3A_5 = tpu.matmul %get3A_4, %get3A_1, %dot_general3A {dimension_numbers = #tpu.dot_dimension_numbers<[1], [0], [0], [1], [0, 0, 1, 1], [], []>, transpose_lhs_hint = false} : vector<64x128xf32>, vector<128x10000xf32>, vector<64x10000xf32> -> vector<64x10000xf32>
    %get3A_6 = arith.constant 0 : index
    %get3A_7 = vector.load %arg5[%get3A_6] : memref<64xf32, #tpu.memory_space<vmem>>, vector<64xf32>
    %broadcast_in_dim3A = vector.shape_cast %get3A_7 : vector<64xf32> to vector<64x1xf32>
    %add3A = vector.broadcast %broadcast_in_dim3A : vector<64x1xf32> to vector<64x10000xf32>
    %add3A_8 = arith.addf %dot_general3A_5, %add3A : vector<64x10000xf32>
    %get3A_9 = arith.constant 0 : index
    %get3A_10 = arith.constant 0 : index
    %get3A_11 = vector.load %arg4[%get3A_9, %get3A_10] : memref<64x128xf32, #tpu.memory_space<vmem>>, vector<64x128xf32>
    %dot_general3A_12 = arith.constant dense<0.000000e+00> : vector<64x10000xf32>
    %dot_general3A_13 = tpu.matmul %get3A_11, %get3A_1, %dot_general3A_12 {dimension_numbers = #tpu.dot_dimension_numbers<[1], [0], [0], [1], [0, 0, 1, 1], [], []>, transpose_lhs_hint = false} : vector<64x128xf32>, vector<128x10000xf32>, vector<64x10000xf32> -> vector<64x10000xf32>
    %get3A_14 = arith.constant 0 : index
    %get3A_15 = vector.load %arg6[%get3A_14] : memref<64xf32, #tpu.memory_space<vmem>>, vector<64xf32>
    %broadcast_in_dim3A_16 = vector.shape_cast %get3A_15 : vector<64xf32> to vector<64x1xf32>
    %add3A_17 = vector.broadcast %broadcast_in_dim3A_16 : vector<64x1xf32> to vector<64x10000xf32>
    %add3A_18 = arith.addf %dot_general3A_13, %add3A_17 : vector<64x10000xf32>
    %convert_element_type3A = arith.truncf %add3A_8 : vector<64x10000xf32> to vector<64x10000xbf16>
    %bitcast_convert_type3A = tpu.bitcast %convert_element_type3A : vector<64x10000xbf16> -> vector<64x10000xi16>
    %convert_element_type3A_19 = arith.extui %bitcast_convert_type3A : vector<64x10000xi16> to vector<64x10000xi32>
    %convert_element_type3A_20 = arith.truncf %add3A_18 : vector<64x10000xf32> to vector<64x10000xbf16>
    %bitcast_convert_type3A_21 = tpu.bitcast %convert_element_type3A_20 : vector<64x10000xbf16> -> vector<64x10000xi16>
    %convert_element_type3A_22 = arith.extui %bitcast_convert_type3A_21 : vector<64x10000xi16> to vector<64x10000xi32>
    %shift_left3A = arith.constant 16 : i32
    %shift_left3A_23 = vector.broadcast %shift_left3A : i32 to vector<64x10000xi32>
    %shift_left3A_24 = arith.shli %convert_element_type3A_22, %shift_left3A_23 : vector<64x10000xi32>
    %or3A = arith.ori %convert_element_type3A_19, %shift_left3A_24 : vector<64x10000xi32>
    %swap3A = arith.constant 0 : index
    %swap3A_25 = arith.constant 0 : index
    %swap3A_26 = vector.load %arg14[%swap3A, %swap3A_25] : memref<64x10000xi32, #tpu.memory_space<vmem>>, vector<64x10000xi32>
    tpu.vector_store %arg14[%swap3A, %swap3A_25], %or3A {strides = array<i32>} : memref<64x10000xi32, #tpu.memory_space<vmem>>, vector<64x10000xi32>,
    %get3A_27 = arith.constant 0 : index
    %get3A_28 = vector.load %arg7[%get3A_27] : memref<64xf32, #tpu.memory_space<vmem>>, vector<64xf32>
    %broadcast_in_dim3A_29 = vector.shape_cast %get3A_28 : vector<64xf32> to vector<64x1xf32>
    %get3A_30 = arith.constant 0 : index
    %get3A_31 = arith.constant 0 : index
    %get3A_32 = vector.load %arg3[%get3A_30, %get3A_31] : memref<64x128xf32, #tpu.memory_space<vmem>>, vector<64x128xf32>
    %mul3A = vector.broadcast %broadcast_in_dim3A_29 : vector<64x1xf32> to vector<64x128xf32>
    %mul3A_33 = arith.mulf %mul3A, %get3A_32 : vector<64x128xf32>
    %reduce_sum3A = arith.constant dense<0.000000e+00> : vector<128xf32>
    %reduce_sum3A_34 = vector.multi_reduction <add>, %mul3A_33, %reduce_sum3A [0] : vector<64x128xf32> to vector<128xf32>
    %get3A_35 = arith.constant 0 : index
    %get3A_36 = vector.load %arg8[%get3A_35] : memref<64xf32, #tpu.memory_space<vmem>>, vector<64xf32>
    %broadcast_in_dim3A_37 = vector.shape_cast %get3A_36 : vector<64xf32> to vector<64x1xf32>
    %get3A_38 = arith.constant 0 : index
    %get3A_39 = arith.constant 0 : index
    %get3A_40 = vector.load %arg4[%get3A_38, %get3A_39] : memref<64x128xf32, #tpu.memory_space<vmem>>, vector<64x128xf32>
    %mul3A_41 = vector.broadcast %broadcast_in_dim3A_37 : vector<64x1xf32> to vector<64x128xf32>
    %mul3A_42 = arith.mulf %mul3A_41, %get3A_40 : vector<64x128xf32>
    %reduce_sum3A_43 = arith.constant dense<0.000000e+00> : vector<128xf32>
    %reduce_sum3A_44 = vector.multi_reduction <add>, %mul3A_42, %reduce_sum3A_43 [0] : vector<64x128xf32> to vector<128xf32>
    %add3A_45 = arith.addf %reduce_sum3A_34, %reduce_sum3A_44 : vector<128xf32>
    %get3A_46 = arith.constant 0 : index
    %get3A_47 = vector.load %arg5[%get3A_46] : memref<64xf32, #tpu.memory_space<vmem>>, vector<64xf32>
    %get3A_48 = arith.constant 0 : index
    %get3A_49 = vector.load %arg7[%get3A_48] : memref<64xf32, #tpu.memory_space<vmem>>, vector<64xf32>
    %mul3A_50 = arith.mulf %get3A_47, %get3A_49 : vector<64xf32>
    %reduce_sum3A_51 = vector.shape_cast %mul3A_50 : vector<64xf32> to vector<1x64xf32>
    %reduce_sum3A_52 = arith.constant dense<0.000000e+00> : vector<1xf32>
    %reduce_sum3A_53 = vector.multi_reduction <add>, %reduce_sum3A_51, %reduce_sum3A_52 [1] : vector<1x64xf32> to vector<1xf32>
    %reduce_sum3A_54 = vector.shape_cast %reduce_sum3A_53 : vector<1xf32> to vector<1x1xf32>
    %reduce_sum3A_55 = vector.extract %reduce_sum3A_54[0, 0] : f32 from vector<1x1xf32>
    %get3A_56 = arith.constant 0 : index
    %get3A_57 = vector.load %arg6[%get3A_56] : memref<64xf32, #tpu.memory_space<vmem>>, vector<64xf32>
    %get3A_58 = arith.constant 0 : index
    %get3A_59 = vector.load %arg8[%get3A_58] : memref<64xf32, #tpu.memory_space<vmem>>, vector<64xf32>
    %mul3A_60 = arith.mulf %get3A_57, %get3A_59 : vector<64xf32>
    %reduce_sum3A_61 = vector.shape_cast %mul3A_60 : vector<64xf32> to vector<1x64xf32>
    %reduce_sum3A_62 = arith.constant dense<0.000000e+00> : vector<1xf32>
    %reduce_sum3A_63 = vector.multi_reduction <add>, %reduce_sum3A_61, %reduce_sum3A_62 [1] : vector<1x64xf32> to vector<1xf32>
    %reduce_sum3A_64 = vector.shape_cast %reduce_sum3A_63 : vector<1xf32> to vector<1x1xf32>
    %reduce_sum3A_65 = vector.extract %reduce_sum3A_64[0, 0] : f32 from vector<1x1xf32>
    %add3A_66 = arith.addf %reduce_sum3A_55, %reduce_sum3A_65 : f32
    %get3A_67 = arith.constant 0 : index
    %get3A_68 = arith.constant 0 : index
    %get3A_69 = vector.load %arg11[%get3A_67, %get3A_68] : memref<1x1xf32, #tpu.memory_space<vmem>>, vector<1x1xf32>
    %get3A_70 = vector.extract %get3A_69[0, 0] : f32 from vector<1x1xf32>
    %add3A_71 = arith.addf %add3A_66, %get3A_70 : f32
    %get3A_72 = arith.constant 0 : index
    %get3A_73 = arith.constant 0 : index
    %get3A_74 = vector.load %arg0[%get3A_72, %get3A_73] : memref<10000x128xf32, #tpu.memory_space<vmem>>, vector<10000x128xf32>
    %broadcast_in_dim3A_75 = vector.shape_cast %add3A_45 : vector<128xf32> to vector<1x128xf32>
    %mul3A_76 = vector.broadcast %broadcast_in_dim3A_75 : vector<1x128xf32> to vector<10000x128xf32>
    %mul3A_77 = arith.mulf %get3A_74, %mul3A_76 : vector<10000x128xf32>
    %reduce_sum3A_78 = arith.constant dense<0.000000e+00> : vector<10000xf32>
    %reduce_sum3A_79 = vector.multi_reduction <add>, %mul3A_77, %reduce_sum3A_78 [1] : vector<10000x128xf32> to vector<10000xf32>
    %add3A_80 = vector.broadcast %add3A_71 : f32 to vector<10000xf32>
    %add3A_81 = arith.addf %reduce_sum3A_79, %add3A_80 : vector<10000xf32>
    %swap3A_82 = arith.constant 0 : index
    %swap3A_83 = vector.load %arg12[%swap3A_82] : memref<10000xf32, #tpu.memory_space<vmem>>, vector<10000xf32>
    tpu.vector_store %arg12[%swap3A_82], %add3A_81 {strides = array<i32>} : memref<10000xf32, #tpu.memory_space<vmem>>, vector<10000xf32>,
    %get3A_84 = arith.constant 0 : index
    %get3A_85 = vector.load %arg9[%get3A_84] : memref<64xf32, #tpu.memory_space<vmem>>, vector<64xf32>
    %broadcast_in_dim3A_86 = vector.shape_cast %get3A_85 : vector<64xf32> to vector<64x1xf32>
    %mul3A_87 = vector.broadcast %broadcast_in_dim3A_86 : vector<64x1xf32> to vector<64x10000xf32>
    %mul3A_88 = arith.mulf %add3A_8, %mul3A_87 : vector<64x10000xf32>
    %reduce_sum3A_89 = arith.constant dense<0.000000e+00> : vector<10000xf32>
    %reduce_sum3A_90 = vector.multi_reduction <add>, %mul3A_88, %reduce_sum3A_89 [0] : vector<64x10000xf32> to vector<10000xf32>
    %get3A_91 = arith.constant 0 : index
    %get3A_92 = vector.load %arg10[%get3A_91] : memref<64xf32, #tpu.memory_space<vmem>>, vector<64xf32>
    %broadcast_in_dim3A_93 = vector.shape_cast %get3A_92 : vector<64xf32> to vector<64x1xf32>
    %mul3A_94 = vector.broadcast %broadcast_in_dim3A_93 : vector<64x1xf32> to vector<64x10000xf32>
    %mul3A_95 = arith.mulf %add3A_18, %mul3A_94 : vector<64x10000xf32>
    %reduce_sum3A_96 = arith.constant dense<0.000000e+00> : vector<10000xf32>
    %reduce_sum3A_97 = vector.multi_reduction <add>, %mul3A_95, %reduce_sum3A_96 [0] : vector<64x10000xf32> to vector<10000xf32>
    %add3A_98 = arith.addf %reduce_sum3A_90, %reduce_sum3A_97 : vector<10000xf32>
    %swap3A_99 = arith.constant 0 : index
    %swap3A_100 = vector.load %arg13[%swap3A_99] : memref<10000xf32, #tpu.memory_space<vmem>>, vector<10000xf32>
    tpu.vector_store %arg13[%swap3A_99], %add3A_98 {strides = array<i32>} : memref<10000xf32, #tpu.memory_space<vmem>>, vector<10000xf32>,
    %get3A_101 = arith.constant 0 : index
    %get3A_102 = arith.constant 0 : index
    %get3A_103 = vector.load %arg2[%get3A_101, %get3A_102] : memref<2x320000xi32, #tpu.memory_space<vmem>>, vector<1x320000xi32>
    %get3A_104 = vector.shape_cast %get3A_103 : vector<1x320000xi32> to vector<320000xi32>
    %mul3A_105 = arith.constant 65536 : i32
    %mul3A_106 = vector.broadcast %mul3A_105 : i32 to vector<320000xi32>
    %mul3A_107 = arith.muli %get3A_104, %mul3A_106 : vector<320000xi32>
    %get3A_108 = arith.constant 1 : index
    %get3A_109 = arith.constant 0 : index
    %get3A_110 = vector.load %arg2[%get3A_108, %get3A_109] : memref<2x320000xi32, #tpu.memory_space<vmem>>, vector<1x320000xi32>
    %get3A_111 = vector.shape_cast %get3A_110 : vector<1x320000xi32> to vector<320000xi32>
    %add3A_112 = arith.addi %mul3A_107, %get3A_111 : vector<320000xi32>
    %swap3A_113 = arith.constant 0 : index
    %swap3A_114 = vector.load %arg15[%swap3A_113] : memref<320000xi32, #tpu.memory_space<vmem>>, vector<320000xi32>
    tpu.vector_store %arg15[%swap3A_113], %add3A_112 {strides = array<i32>} : memref<320000xi32, #tpu.memory_space<vmem>>, vector<320000xi32>,
    return
  }
}

module attributes {stable_mosaic.version = 14 : i64} {
  func.func @_tc_scale(%arg0: memref<128x10000xf32, #tpu.memory_space<vmem>>, %arg1: memref<32x10000xf32, #tpu.memory_space<vmem>>, %arg2: memref<10000x128xf32, #tpu.memory_space<vmem>>) attributes {dimension_semantics = [], scalar_prefetch = 0 : i64, scratch_operands = 0 : i64, tpu.core_type = #tpu.core_type<tc>} {
    %get3A = arith.constant 0 : index
    %get3A_0 = arith.constant 0 : index
    %get3A_1 = vector.load %arg1[%get3A, %get3A_0] : memref<32x10000xf32, #tpu.memory_space<vmem>>, vector<32x10000xf32>
    %reduce_sum3A = arith.constant dense<0.000000e+00> : vector<10000xf32>
    %reduce_sum3A_2 = vector.multi_reduction <add>, %get3A_1, %reduce_sum3A [0] : vector<32x10000xf32> to vector<10000xf32>
    %get3A_3 = arith.constant 0 : index
    %get3A_4 = arith.constant 0 : index
    %get3A_5 = vector.load %arg0[%get3A_3, %get3A_4] : memref<128x10000xf32, #tpu.memory_space<vmem>>, vector<128x10000xf32>
    %add3A = arith.constant 1.000000e-10 : f32
    %add3A_6 = vector.broadcast %add3A : f32 to vector<10000xf32>
    %add3A_7 = arith.addf %reduce_sum3A_2, %add3A_6 : vector<10000xf32>
    %div3A = arith.constant 1.000000e+00 : f32
    %div3A_8 = vector.broadcast %div3A : f32 to vector<10000xf32>
    %div3A_9 = arith.divf %div3A_8, %add3A_7 : vector<10000xf32>
    %broadcast_in_dim3A = vector.shape_cast %div3A_9 : vector<10000xf32> to vector<1x10000xf32>
    %mul3A = vector.broadcast %broadcast_in_dim3A : vector<1x10000xf32> to vector<128x10000xf32>
    %mul3A_10 = arith.mulf %get3A_5, %mul3A : vector<128x10000xf32>
    %transpose3A = tpu.transpose %mul3A_10, [1, 0] : vector<128x10000xf32> -> vector<10000x128xf32>
    %swap3A = arith.constant 0 : index
    %swap3A_11 = arith.constant 0 : index
    %swap3A_12 = vector.load %arg2[%swap3A, %swap3A_11] : memref<10000x128xf32, #tpu.memory_space<vmem>>, vector<10000x128xf32>
    tpu.vector_store %arg2[%swap3A, %swap3A_11], %transpose3A {strides = array<i32>} : memref<10000x128xf32, #tpu.memory_space<vmem>>, vector<10000x128xf32>,
    return
  }
}

</mosaic_0001>

<sc_bundles>
// kernel: kernel.6.cloned.1.call-start
scs
__scs_entry_jumppad:
0x0: {  	(pc) =	sbr.rel $0x88, $3  }
0x1: {  	(tag) =	ssettag $0x0;
	lr =	simm.s32 $0x1  }
0x2: {  	[smem:$0x3F9A] =	sst lr;
	_ =	strace $0xD0000000  }
0x3: {  	_ = 	snop  }
0x4: {  	_ = 	snop  }
0x5: {  	_ = 	snop  }
0x6: {  	_ = 	snop  }
0x7: {  	_ = 	snop  }
__scs_overlays_trampoline_lowered:
0x8: {  	[smem:$0x3FA9] =	sst s0  }
0x9: {  	[smem:$0x3FAA] =	sst s1  }
0xa: {  	[smem:$0x3FAB] =	sst s2  }
0xb: {  	[smem:$0x3FAC] =	sst s3  }
0xc: {  	[smem:$0x3FAD] =	sst s4  }
0xd: {  	[smem:$0x3FAE] =	sst s5  }
0xe: {  	[smem:$0x3FAF] =	sst s6  }
0xf: {  	[smem:$0x3FB0] =	sst s7  }
0x10: {  	[smem:$0x3FB1] =	sst s8  }
0x11: {  	[smem:$0x3FB2] =	sst s9;
	s0 =	simm.s32 @!p0 $0x0  }
0x12: {  	s1 =	sld [smem:$0x3F98];
	s0 =	simm.s32 @p0 $0x1  }
0x13: {  	[smem:$0x3FB3] =	sst s0;
	s0 =	simm.s32 @!p1 $0x0  }
0x14: {  	s2 =	sld [smem:$0x3F97];
	s0 =	simm.s32 @p1 $0x1  }
0x15: {  	[smem:$0x3FB4] =	sst s0;
	s0 =	simm.s32 @!p2 $0x0  }
0x16: {  	s3 =	sld [smem:$0x3FDB];
	s0 =	simm.s32 @p2 $0x1  }
0x17: {  	s4 =	simm.s32 $0x1BF5;
	[smem:$0x3FB6] =	sst s0  }
0x18: {  	s0 =	sld [smem:$0x3F99];
	_ =	swait.ge [sflag:s4], $0x0  }
0x19: {  	s7 =	sld [smem:$0x3F9A]  }
0x1a: {  	s8 =	sadd.s32 $0xFFFFE003, lr  }
0x1b: {  	s9 =	sadd.s32 $0xFFFFFEF7, lr;
	s5 =	simm.s32 $0xFFFFFFFF;
	p2 =	slt.u32 s8, $0xFFFFF086  }
0x1c: {  	p1 =	slt.u32 s9, $0xF7A;
	s5 =	simm.s32 @!p2 $0x0  }
0x1d: {  	s5 =	simm.s32 @p1 $0x1;
	p0 =	seq.s32 s7, s2  }
0x1e: {  	s7 =	smul.u32 @!p0 $0xF7A, s2;
	p2 =	seq.s32 @!p0 s5, $0x0  }
0x1f: {  	s9 =	smul.u32 $0xF7A, s1;
	s8 =	simm.s32 @!p0 $0x1BF5;
	p2 =	por !p2, p0  }
0x20: {  	[sflag:s8] =	ssyncset.s32 @!p0 $0xFFFFF086;
	s6 =	sadd.s32 @!p0 s3, s7;
	s7 =	simm.s32 @!p0 $0x108  }
0x21: {  	s3 =	sadd.s32 s3, s9;
	s6 =	sadd.s32 @!p0 $0x88, s6;
	s7 =	simm.s32 @p2 $0x1082  }
0x22: {  	[simem:s7], [sflag:s8] =	dma.local @!p0 [hbm:s6], $0xF7A  }
0x23: {  	s9 =	sor.u32 $0xD0000000, s2;
	s6 =	simm.s32 $0x108;
	_ =	swait.ge @!p0 [sflag:s8], $0x0  }
0x24: {  	s3 =	sadd.s32 $0x88, s3;
	s6 =	simm.s32 @!p1 $0x1082;
	[sflag:s4] =	ssyncset.s32 $0xFFFFF086  }
0x25: {  	[simem:s6], [sflag:s4] =	dma.local [hbm:s3], $0xF7A  }
0x26: {  	[smem:$0x3F9A] =	sst s1;
	(tag) =	ssettag s2;
	_ =	strace s9  }
0x27: {  	s1 =	sld [smem:$0x3FAA]  }
0x28: {  	s2 =	sld [smem:$0x3FAB]  }
0x29: {  	s4 =	sld [smem:$0x3FAD]  }
0x2a: {  	p0 =	seq.s32 s5, $0x0;
	s5 =	sld [smem:$0x3FAE]  }
0x2b: {  	s6 =	sld [smem:$0x3FAF]  }
0x2c: {  	s7 =	sld [smem:$0x3FB0]  }
0x2d: {  	s3 =	simm.s32 $0x108;
	s8 =	sld [smem:$0x3FB1]  }
0x2e: {  	s3 =	simm.s32 @!p0 $0x1082;
	s9 =	sld [smem:$0x3FB2]  }
0x2f: {  	lr =	sadd.s32 s0, s3;
	s0 =	sld [smem:$0x3FA9]  }
0x30: {  	s3 =	sld [smem:$0x3FAC]  }
0x31: {  	[smem:$0x3FB5] =	sst s10  }
0x32: {  	s10 =	sld [smem:$0x3FB3];
	_ =	sdelay $0x3  }
0x33: {  	p0 =	seq.s32 s10, $0x1;
	s10 =	sld [smem:$0x3FB5];
	_ =	sdelay $0x3  }
0x34: {  	[smem:$0x3FB5] =	sst s10  }
0x35: {  	s10 =	sld [smem:$0x3FB4];
	_ =	sdelay $0x3  }
0x36: {  	p1 =	seq.s32 s10, $0x1;
	s10 =	sld [smem:$0x3FB5];
	_ =	sdelay $0x3  }
0x37: {  	[smem:$0x3FB5] =	sst s10  }
0x38: {  	s10 =	sld [smem:$0x3FB6]  }
0x39: {  	_ = 	snop;
	(pc) =	sbr.ind lr, $3  }
0x3a: {  	_ = 	snop  }
0x3b: {  	_ = 	snop  }
0x3c: {  	p2 =	seq.s32 s10, $0x1;
	s10 =	sld [smem:$0x3FB5]  }
0x3d: {  	_ =	shalt  }
0x3e: {  	_ =	shalt  }
0x3f: {  	_ =	shalt  }
0x40: {  	_ =	shalt  }
0x41: {  	_ =	shalt  }
0x42: {  	_ =	shalt  }
0x43: {  	_ =	shalt  }
0x44: {  	_ =	shalt  }
0x45: {  	_ =	shalt  }
0x46: {  	_ =	shalt  }
0x47: {  	_ =	shalt  }
0x48: {  	_ =	shalt  }
0x49: {  	_ =	shalt  }
0x4a: {  	_ =	shalt  }
0x4b: {  	_ =	shalt  }
0x4c: {  	_ =	shalt  }
0x4d: {  	_ =	shalt  }
0x4e: {  	_ =	shalt  }
0x4f: {  	_ =	shalt  }
0x50: {  	_ =	shalt  }
0x51: {  	_ =	shalt  }
0x52: {  	_ =	shalt  }
0x53: {  	_ =	shalt  }
0x54: {  	_ =	shalt  }
0x55: {  	_ =	shalt  }
0x56: {  	_ =	shalt  }
0x57: {  	_ =	shalt  }
0x58: {  	_ =	shalt  }
0x59: {  	_ =	shalt  }
0x5a: {  	_ =	shalt  }
0x5b: {  	_ =	shalt  }
0x5c: {  	_ =	shalt  }
0x5d: {  	_ =	shalt  }
0x5e: {  	_ =	shalt  }
0x5f: {  	_ =	shalt  }
0x60: {  	_ =	shalt  }
0x61: {  	_ =	shalt  }
0x62: {  	_ =	shalt  }
0x63: {  	_ =	shalt  }
0x64: {  	_ =	shalt  }
0x65: {  	_ =	shalt  }
0x66: {  	_ =	shalt  }
0x67: {  	_ =	shalt  }
0x68: {  	_ =	shalt  }
0x69: {  	_ =	shalt  }
0x6a: {  	_ =	shalt  }
0x6b: {  	_ =	shalt  }
0x6c: {  	_ =	shalt  }
0x6d: {  	_ =	shalt  }
0x6e: {  	_ =	shalt  }
0x6f: {  	_ =	shalt  }
0x70: {  	_ =	shalt  }
0x71: {  	_ =	shalt  }
0x72: {  	_ =	shalt  }
0x73: {  	_ =	shalt  }
0x74: {  	_ =	shalt  }
0x75: {  	_ =	shalt  }
0x76: {  	_ =	shalt  }
0x77: {  	_ =	shalt  }
0x78: {  	_ =	shalt  }
0x79: {  	_ =	shalt  }
0x7a: {  	_ =	shalt  }
0x7b: {  	_ =	shalt  }
0x7c: {  	_ =	shalt  }
0x7d: {  	_ =	shalt  }
0x7e: {  	_ =	shalt  }
0x7f: {  	_ =	shalt  }
0x80: {  	_ =	shalt  }
0x81: {  	_ =	shalt  }
0x82: {  	_ =	shalt  }
0x83: {  	_ =	shalt  }
0x84: {  	_ =	shalt  }
0x85: {  	_ =	shalt  }
0x86: {  	_ =	shalt  }
0x87: {  	_ =	shalt  }
.Lfunc_end0:
.L_simem_size_0:
called_computation_lowered:
.L_overlay_start_0:
0x88: {  	s2 =	sld [smem:$0x3FD9]  }
0x89: {  	s3 =	sld [smem:$0x3FFE];
	_ =	sdelay $0x1  }
0x8a: {  	s1 =	srdreg.scid  }
0x8b: {  	s0 =	sand.u32 $0x1, s1  }
0x8c: {  	s17 =	sshll.u32 s0, $0xA;
	s2 =	sadd.s32 s3, s2  }
0x8d: {  	s2 =	sadd.s32 s2, s17  }
0x8e: {  	[smem:$0x3FC1] =	sst s2  }
0x8f: {  	_ = 	snop  }
0x90: {  	s2 =	sld [smem:$0x3FD0];
	(tm) =	ssettm $0x1  }
0x91: {  	s18 =	sld [smem:$0x3FFB];
	_ =	sdelay $0x3  }
0x92: {  	_ =	strace s18  }
0x93: {  	s3 =	sld [smem:$0x3FFC];
	_ =	sdelay $0x3  }
0x94: {  	_ =	strace s3  }
0x95: {  	s3 =	sld [smem:$0x3FFD];
	_ =	sdelay $0x3  }
0x96: {  	_ =	strace s3  }
0x97: {  	_ =	strace $0x8FFFFFFF  }
0x98: {  	s19 =	sld [smem:$0x3FDB];
	_ =	sdelay $0x1  }
0x99: {  	s4 =	simm.s32 $_scs_section_size  }
0x9a: {  	s5 =	simm.s32 $_size__tile_overlayer_lowered;
	s6 =	simm.s32 $_tile_overlayer_lowered  }
0x9b: {  	s22 =	simm.s32 $0x1BFF;
	s21 =	sshll.u32 s6, $0x1;
	s3 =	sadd.s32 s4, s19  }
0x9c: {  	s7 =	simm.s32 $0x0;
	s20 =	sshll.u32 s5, $0x1;
	s5 =	sadd.s32 s21, s3  }
0x9d: {  	[timem:s7], [sflag:s22] =	dma.local [hbm:s5], s20  }
0x9e: {  	_ =	swait.ge [sflag:s22], s20  }
0x9f: {  	s4 =	ssub.s32 $0x0, s20;
	[sflag:s22] =	ssyncset.done $0x0  }
0xa0: {  	[sflag:s22] =	ssyncadd.s32 s4;
	_ =	sdelay $0x1  }
0xa1: {  	s23 =	simm.s32 $0x1B8B  }
0xa2: {  	_ =	swait.ge [sflag:s23], $0x1  }
0xa3: {  	[sflag:s23] =	ssyncset.done $0x0  }
0xa4: {  	s25 =	simm.s32 $0x1B8E;
	s24 =	sld [smem:$0x3FFE];
	[sflag:s23] =	ssyncadd.s32 $0xFFFFFFFF  }
0xa5: {  	s26 =	simm.s32 $execute0_lowered;
	[smem:$0x3FD2] =	sst s25  }
0xa6: {  	s5 =	sshll.u32 s26, $0x1;
	_ =	strace $0x80000046;
	[dreg:$0x1] =	wrdreg $0xFFFFFFFF  }
0xa7: {  	s28 =	simm.s32 $_size_execute0_lowered;
	s3 =	sadd.s32 s3, s5;
	[dreg:$0x0] =	wrdreg $0x0  }
0xa8: {  	s5 =	sshll.u32 s28, $0x1;
	[dreg:$0x2] =	wrdreg s3  }
0xa9: {  	[dreg:$0x3] =	wrdreg s5  }
0xaa: {  	[dreg:$0x4] =	wrdreg $0xC0  }
0xab: {  	_ =	task [dreg:s7], $0x5FFFF  }
0xac: {  	[dreg:$0x1] =	wrdreg $0xFFFFFFFF  }
0xad: {  	[dreg:$0x0] =	wrdreg $0x60  }
0xae: {  	[dreg:$0x2] =	wrdreg s24  }
0xaf: {  	[dreg:$0x3] =	wrdreg s2  }
0xb0: {  	[dreg:$0x4] =	wrdreg $0x9  }
0xb1: {  	_ =	task.clear_ibuf [dreg:s7], $0x5FFFF;
	_ =	strace $0x90000046  }
0xb2: {  	s29 =	simm.s32 $0x9;
	_ =	strace $0x80000048  }
0xb3: {  	_ =	swait.ge [sflag:s29], $0x1  }
0xb4: {  	[sflag:s29] =	ssyncadd.s32 $0xFFFFFFFF  }
0xb5: {  	_ =	strace $0x90000048  }
0xb6: {  	_ =	sfence  }
0xb7: {  	s30 =	sld [smem:$0x0];
	_ =	sdelay $0x2  }
0xb8: {  	s31 =	sshll.u32 s1, $0xD;
	s1 =	sshrl.u32 s1, $0x2  }
0xb9: {  	s3 =	sand.u32 $0x4000, s31;
	s1 =	sadd.s32 s1, s30  }
0xba: {  	s0 =	sor.u32 s3, s0;
	s1 =	sshll.u32 s1, $0x11  }
0xbb: {  	s0 =	sor.u32 s1, s0  }
0xbc: {  	s0 =	sadd.s32 $0x8F2B, s0  }
0xbd: {  	[sflag:s0] =	ssyncadd.remote.s32 $0x1  }
0xbe: {  	_ =	sfence.sel $0xFFFF  }
0xbf: {  	[dreg:$0x0] =	wrdreg $0xFFFFFFFF;
	(pc) =	sbr.abs _section_cstart, $3  }
0xc0: {  	[dreg:$0x1] =	wrdreg $0xFFFFFFFF  }
0xc1: {  	_ =	task.clear_ibuf [dreg:s7], $0x2FFFF;
	_ =	strace $0x9FFFFFFF  }
0xc2: {  	(tm) =	ssettm $0x7FFFFFFF  }
0xc3: {  	_ =	shalt  }
tec
execute0_lowered:
.L_overlay_start_1:
0x0: {  	(tag) =	ssettag $0x1  }
0x1: {  	s1 =	srdreg.scid  }
0x2: {  	s0 =	stileid.u32;
	s4 =	rddreg [dreg:$0x0]  }
0x3: {  	s2 =	rddreg [dreg:$0x1];
	s3 =	simm.s32 $0x0;
	s9 =	simm.s32 $0x1  }
0x4: {  	s10 =	simm.s32 $0x2780;
	s11 =	simm.s32 $0x4F00;
	s12 =	simm.s32 $0x9E00  }
0x5: {  	s13 =	simm.s32 $0x7680;
	s5 =	sand.u32 $0x1, s1;
	s30 =	sshll.u32 s0, $0x1  }
0x6: {  	s14 =	simm.s32 $0x0;
	s6 =	sor.u32 s5, s30;
	s5 =	ssub.s32 $0x2, s5  }
0x7: {  	[smem:$0x7FF] =	sst s3;
	s6 =	smul.u32 $0x4E2, s6;
	s31 =	sshrl.u32 s5, $0x1  }
0x8: {  	s1 =	rddreg [dreg:$0x2];
	_ =	strace $0x80000047;
	s8 =	ssub.s32 s5, s31  }
0x9: {  	s7 =	sadd.s32 s6, s4;
	s4 =	sadd.s32 $0xBE00, s4;
	s8 =	smax.u32 s8, $0x1  }
0xa: {  	v0 =	vimm.f32 $0.0e+00;
	s5 =	sadd.s32 $0x2000, s7;
	s6 =	sadd.s32 $0x16200, s7;
	s7 =	sadd.s32 $0xC400, s7  }
.LBB2_1:
0xb: {  	[tilespmem:s3], [sflag:$0x1] =	stream.linear.gather [hbm4b:s2+s3], $0x2780, $0x38;
	[tilespmem:$0xC580] =	vst v63  }
0xc: {  	_ =	swait.ge [sflag:s9], $0x2780  }
0xd: {  	[sflag:s9] =	ssyncset.done $0x0  }
0xe: {  	[sflag:s9] =	ssyncadd.s32 $0xFFFFD880  }
0xf: {  	[tilespmem:s10], [sflag:$0x1] =	stream.linear.gather [hbm4b:s4+s3], $0x2780, $0x38;
	[tilespmem:$0xC580] =	vst v63  }
0x10: {  	_ =	swait.ge [sflag:s9], $0x2780  }
0x11: {  	[sflag:s9] =	ssyncset.done $0x0  }
0x12: {  	[sflag:s9] =	ssyncadd.s32 $0xFFFFD880  }
0x13: {  	[tilespmem:s11], [sflag:$0x1] =	stream.linear.gather [hbm4b:s5+s3], $0x2710, $0x38;
	[tilespmem:$0xC580] =	vst v63  }
0x14: {  	_ =	swait.ge [sflag:s9], $0x2710  }
0x15: {  	[sflag:s9] =	ssyncset.done $0x0  }
0x16: {  	s15 =	simm.s32 $0x9E40;
	[sflag:s9] =	ssyncadd.s32 $0xFFFFD8F0  }
0x17: {  	[tilespmem:s15+$0xFFFFFFC0] =	vst v0  }
0x18: {  	[tilespmem:s15+$0x30] =	vst v0  }
0x19: {  	[tilespmem:s15+$0x20] =	vst v0  }
0x1a: {  	[tilespmem:s15+$0x10] =	vst v0  }
0x1b: {  	[tilespmem:s15+$0x0] =	vst v0  }
0x1c: {  	[tilespmem:s15+$0xFFFFFFF0] =	vst v0  }
0x1d: {  	s16 =	simm.s32 $0x0;
	[tilespmem:s15+$0xFFFFFFE0] =	vst v0  }
.LBB2_2:
0x1e: {  	s16 =	sadd.s32 $0x8, s16;
	[tilespmem:s15+$0xFFFFFFD0] =	vst v0;
	s15 =	sadd.s32 $0x80, s15  }
0x1f: {  	[tilespmem:s15+$0xFFFFFFC0] =	vst v0;
	p0 =	slt.u32 s16, $0x268  }
0x20: {  	[tilespmem:s15+$0x30] =	vst v0  }
.Ltmp0:
0x21: {  	[tilespmem:s15+$0x20] =	vst v0;
	(pc) =	sbr.rel @p0 .LBB2_2-.Ltmp0, $4  }
0x22: {  	[tilespmem:s15+$0x10] =	vst v0  }
0x23: {  	[tilespmem:s15+$0x0] =	vst v0  }
0x24: {  	[tilespmem:s15+$0xFFFFFFF0] =	vst v0  }
0x25: {  	[tilespmem:s15+$0xFFFFFFE0] =	vst v0  }
0x26: {  	[tilespmem:s15+$0xFFFFFFD0] =	vst v0  }
0x27: {  	s31 =	simm.s32 $0x4F40;
	[tilespmem:$0xC500] =	vst v0  }
0x28: {  	v1 =	vld [tilespmem:s31+$0x30];
	_ =	sdelay $0x3  }
0x29: {  	v3 =	vld [tilespmem:s31+$0xFFFFFFD0]  }
0x2a: {  	v4 =	vld [tilespmem:s31+$0xFFFFFFE0];
	v2 =	vshrl.u32 v1, $0x10  }
0x2b: {  	v5 =	vld [tilespmem:s31+$0xFFFFFFF0];
	v1 =	vand.u32 $0xFFFF, v1  }
0x2c: {  	v8 =	vld [tilespmem:s31+$0xFFFFFFC0]  }
0x2d: {  	v12 =	vld [tilespmem:s31+$0x0]  }
0x2e: {  	v13 =	vld [tilespmem:s31+$0x10];
	v7 =	vshrl.u32 v3, $0x10  }
0x2f: {  	v3 =	vand.u32 $0xFFFF, v3;
	v6 =	vld.idx.msk [tilespmem:v2+s3+$0x0], $0xffff  }
0x30: {  	s16 =	simm.s32 $0x4FC0;
	v1 =	vld.idx.msk [tilespmem:v1+s10+$0x0], $0xffff  }
0x31: {  	v48 =	vld [tilespmem:s16+$0x30]  }
0x32: {  	v21 =	vld [tilespmem:s16+$0xFFFFFFD0]  }
0x33: {  	v9 =	vshrl.u32 v4, $0x10;
	v15 =	vld.idx.msk [tilespmem:v7+s3+$0x0], $0xffff  }
0x34: {  	v4 =	vand.u32 $0xFFFF, v4;
	v3 =	vld.idx.msk [tilespmem:v3+s10+$0x0], $0xffff  }
0x35: {  	v10 =	vshrl.u32 v5, $0x10;
	v1 =	vadd.f32 v1, v6;
	v6 =	vld [tilespmem:s31+$0x20]  }
0x36: {  	v49 =	vld [tilespmem:s16+$0xFFFFFFE0];
	v5 =	vand.u32 $0xFFFF, v5  }
0x37: {  	v50 =	vld [tilespmem:s16+$0x0];
	v14 =	vshrl.u32 v8, $0x10;
	v16 =	vmul.f32 $2.000000030e-01, v1  }
0x38: {  	v8 =	vand.u32 $0xFFFF, v8;
	v11 =	vshrl.u32 v12, $0x10;
	v17 =	vld.idx.msk [tilespmem:v9+s3+$0x0], $0xffff  }
0x39: {  	v4 =	vld.idx.msk [tilespmem:v4+s10+$0x0], $0xffff;
	v3 =	vadd.f32 v3, v15;
	v15 =	vand.u32 $0xFFFF, v13;
	v1 =	vmax.f32 v1, v16  }
0x3a: {  	v18 =	vld.idx.msk [tilespmem:v10+s3+$0x0], $0xffff;
	v16 =	vand.u32 $0xFFFF, v12;
	v12 =	vshrl.u32 v13, $0x10;
	v13 =	vshrl.u32 v6, $0x10  }
0x3b: {  	v5 =	vld.idx.msk [tilespmem:v5+s10+$0x0], $0xffff;
	v1 =	vmul.f32 $1.442695020e+00, v1;
	v6 =	vand.u32 $0xFFFF, v6  }
0x3c: {  	v19 =	vld.idx.msk [tilespmem:v14+s3+$0x0], $0xffff  }
0x3d: {  	(erf) = vpow2.f32 v1;
	v1 =	vld.idx.msk [tilespmem:v8+s10+$0x0], $0xffff;
	v8 =	vmul.f32 $2.000000030e-01, v3  }
0x3e: {  	v20 =	vld.idx.msk [tilespmem:v11+s3+$0x0], $0xffff  }
0x3f: {  	v4 =	vadd.f32 v4, v17;
	v3 =	vmax.f32 v3, v8;
	v17 =	vld.idx.msk [tilespmem:v13+s3+$0x0], $0xffff  }
0x40: {  	v3 =	vmul.f32 $1.442695020e+00, v3;
	v6 =	vld.idx.msk [tilespmem:v6+s10+$0x0], $0xffff  }
0x41: {  	v16 =	vld.idx.msk [tilespmem:v16+s10+$0x0], $0xffff  }
0x42: {  	v51 =	vld [tilespmem:s16+$0x10];
	v5 =	vadd.f32 v5, v18;
	(erf) = vpow2.f32 v3;
	v3 =	vmul.f32 $2.000000030e-01, v4  }
0x43: {  	v15 =	vld.idx.msk [tilespmem:v15+s10+$0x0], $0xffff;
	v1 =	vadd.f32 v1, v19  }
0x44: {  	v8 =	vld.idx.msk [tilespmem:v12+s3+$0x0], $0xffff;
	v19 =	vand.u32 $0xFFFF, v49;
	v3 =	vmax.f32 v4, v3;
	v4 =	vmul.f32 $2.000000030e-01, v5  }
0x45: {  	v24 =	vld [tilespmem:s16+$0x20];
	v3 =	vmul.f32 $1.442695020e+00, v3;
	v6 =	vadd.f32 v6, v17;
	v17 =	vand.u32 $0xFFFF, v21  }
0x46: {  	s15 =	simm.s32 $0x76C0;
	v52 =	vld [tilespmem:s16+$0xFFFFFFC0];
	v22 =	vpop (erf);
	v4 =	vmax.f32 v5, v4;
	v5 =	vadd.f32 v16, v20;
	v20 =	vand.u32 $0xFFFF, v50  }
0x47: {  	v16 =	vld [tilespmem:s16+$0xFFFFFFF0];
	[tilespmem:s15+$0x30] =	vst v22;
	(erf) = vpow2.f32 v3;
	v3 =	vshrl.u32 v48, $0x10  }
0x48: {  	[tilespmem:v2+s12+$0x0] =	vst.idx.add.f32.msk $0xffff, v22;
	v2 =	vmul.f32 $2.000000030e-01, v1  }
0x49: {  	v18 =	vand.u32 $0xFFFF, v48;
	v8 =	vadd.f32 v15, v8;
	v4 =	vmul.f32 $1.442695020e+00, v4;
	v19 =	vld.idx.msk [tilespmem:v19+s10+$0x0], $0xffff  }
0x4a: {  	v22 =	vand.u32 $0xFFFF, v51;
	v1 =	vmax.f32 v1, v2;
	v2 =	vmul.f32 $2.000000030e-01, v5;
	v17 =	vld.idx.msk [tilespmem:v17+s10+$0x0], $0xffff  }
0x4b: {  	v15 =	vmul.f32 $1.442695020e+00, v1;
	v23 =	vpop (erf);
	v1 =	vshrl.u32 v21, $0x10;
	(erf) = vpow2.f32 v4;
	v20 =	vld.idx.msk [tilespmem:v20+s10+$0x0], $0xffff  }
0x4c: {  	[tilespmem:s15+$0xFFFFFFD0] =	vst v23;
	v4 =	vmax.f32 v5, v2;
	v5 =	vmul.f32 $2.000000030e-01, v8;
	v2 =	vshrl.u32 v49, $0x10;
	v25 =	vld.idx.msk [tilespmem:v3+s3+$0x0], $0xffff  }
0x4d: {  	v53 =	vmul.f32 $2.000000030e-01, v6;
	[tilespmem:v7+s12+$0x0] =	vst.idx.add.f32.msk $0xffff, v23;
	v7 =	vmul.f32 $1.442695020e+00, v4;
	v4 =	vshrl.u32 v16, $0x10  }
0x4e: {  	v16 =	vand.u32 $0xFFFF, v16;
	v5 =	vmax.f32 v8, v5;
	v8 =	vld.idx.msk [tilespmem:v18+s10+$0x0], $0xffff  }
0x4f: {  	(erf) = vpow2.f32 v15;
	v22 =	vld.idx.msk [tilespmem:v22+s10+$0x0], $0xffff;
	v15 =	vmul.f32 $1.442695020e+00, v5;
	v5 =	vmax.f32 v6, v53  }
0x50: {  	(erf) = vpow2.f32 v7;
	v54 =	vld.idx.msk [tilespmem:v1+s3+$0x0], $0xffff;
	v6 =	vmul.f32 $1.442695020e+00, v5;
	v5 =	vshrl.u32 v52, $0x10  }
0x51: {  	(erf) = vpow2.f32 v15;
	v15 =	vand.u32 $0xFFFF, v52;
	v55 =	vld.idx.msk [tilespmem:v2+s3+$0x0], $0xffff  }
0x52: {  	v7 =	vshrl.u32 v51, $0x10;
	v27 =	vpop (erf);
	v56 =	vld.idx.msk [tilespmem:v4+s3+$0x0], $0xffff  }
0x53: {  	[tilespmem:s15+$0xFFFFFFE0] =	vst v27;
	(erf) = vpow2.f32 v6;
	v6 =	vshrl.u32 v50, $0x10;
	v16 =	vld.idx.msk [tilespmem:v16+s10+$0x0], $0xffff;
	v25 =	vadd.f32 v8, v25  }
0x54: {  	[tilespmem:v9+s12+$0x0] =	vst.idx.add.f32.msk $0xffff, v27  }
0x55: {  	v8 =	vshrl.u32 v24, $0x10;
	v26 =	vld.idx.msk [tilespmem:v5+s3+$0x0], $0xffff;
	v17 =	vadd.f32 v17, v54;
	v57 =	vmul.f32 $2.000000030e-01, v25  }
0x56: {  	v24 =	vand.u32 $0xFFFF, v24;
	v15 =	vld.idx.msk [tilespmem:v15+s10+$0x0], $0xffff  }
0x57: {  	v28 =	vpop (erf);
	v59 =	vld.idx.msk [tilespmem:v7+s3+$0x0], $0xffff;
	v19 =	vadd.f32 v19, v55;
	v31 =	vmul.f32 $2.000000030e-01, v17;
	v18 =	vmax.f32 v25, v57  }
0x58: {  	[tilespmem:s15+$0xFFFFFFF0] =	vst v28;
	v29 =	vld.idx.msk [tilespmem:v6+s3+$0x0], $0xffff;
	v18 =	vmul.f32 $1.442695020e+00, v18  }
0x59: {  	v30 =	vpop (erf);
	[tilespmem:v10+s12+$0x0] =	vst.idx.add.f32.msk $0xffff, v28;
	v16 =	vadd.f32 v16, v56;
	v60 =	vmul.f32 $2.000000030e-01, v19;
	v17 =	vmax.f32 v17, v31  }
0x5a: {  	[tilespmem:s15+$0xFFFFFFC0] =	vst v30;
	v33 =	vld.idx.msk [tilespmem:v8+s3+$0x0], $0xffff;
	v17 =	vmul.f32 $1.442695020e+00, v17;
	(erf) = vpow2.f32 v18  }
0x5b: {  	v58 =	vpop (erf);
	[tilespmem:v14+s12+$0x0] =	vst.idx.add.f32.msk $0xffff, v30;
	v63 =	vmul.f32 $2.000000030e-01, v16;
	v62 =	vmax.f32 v19, v60;
	v15 =	vadd.f32 v15, v26  }
0x5c: {  	v24 =	vld.idx.msk [tilespmem:v24+s10+$0x0], $0xffff;
	[tilespmem:s15+$0x0] =	vst v58;
	v18 =	vmul.f32 $1.442695020e+00, v62;
	(erf) = vpow2.f32 v17  }
0x5d: {  	v32 =	vpop (erf);
	[tilespmem:v11+s12+$0x0] =	vst.idx.add.f32.msk $0xffff, v58;
	v16 =	vmax.f32 v16, v63;
	v17 =	vadd.f32 v20, v29;
	v14 =	vmul.f32 $2.000000030e-01, v15  }
0x5e: {  	[tilespmem:s15+$0x10] =	vst v32;
	v61 =	vpop (erf);
	v9 =	vmul.f32 $1.442695020e+00, v16;
	(erf) = vpow2.f32 v18  }
0x5f: {  	v10 =	vadd.f32 v22, v59;
	[tilespmem:s15+$0x20] =	vst v61;
	v14 =	vmax.f32 v15, v14;
	v15 =	vmul.f32 $2.000000030e-01, v17  }
0x60: {  	[tilespmem:v12+s12+$0x0] =	vst.idx.add.f32.msk $0xffff, v32;
	(erf) = vpow2.f32 v9;
	v14 =	vmul.f32 $1.442695020e+00, v14  }
0x61: {  	s17 =	simm.s32 $0x5040;
	s16 =	simm.s32 $0x8;
	v12 =	vmul.f32 $2.000000030e-01, v10;
	v11 =	vadd.f32 v24, v33;
	[tilespmem:v13+s12+$0x0] =	vst.idx.add.f32.msk $0xffff, v61;
	v15 =	vmax.f32 v17, v15  }
.LBB2_4:
0x62: {  	v13 =	vld [tilespmem:s17+$0x30];
	v15 =	vmul.f32 $1.442695020e+00, v15;
	(erf) = vpow2.f32 v14;
	v9 =	vmov v8  }
0x63: {  	s15 =	sadd.s32 $0x80, s15;
	v8 =	vld [tilespmem:s17+$0xFFFFFFD0];
	v10 =	vmax.f32 v10, v12;
	v17 =	vmul.f32 $2.000000030e-01, v11;
	v14 =	vpop (erf)  }
0x64: {  	s16 =	sadd.s32 $0x8, s16;
	v16 =	vld [tilespmem:s17+$0xFFFFFFE0];
	v10 =	vmul.f32 $1.442695020e+00, v10;
	[tilespmem:s15+$0x30] =	vst v14;
	(erf) = vpow2.f32 v15  }
0x65: {  	p0 =	slt.u32 s16, $0x268;
	v11 =	vmax.f32 v11, v17;
	[tilespmem:v3+s12+$0x0] =	vst.idx.add.f32.msk $0xffff, v14;
	v12 =	vpop (erf)  }
0x66: {  	v14 =	vld [tilespmem:s17+$0xFFFFFFF0];
	[tilespmem:s15+$0xFFFFFFD0] =	vst v12;
	v11 =	vmul.f32 $1.442695020e+00, v11;
	(erf) = vpow2.f32 v10  }
0x67: {  	v10 =	vld [tilespmem:s17+$0x0];
	v3 =	vshrl.u32 v13, $0x10;
	v15 =	vpop (erf)  }
0x68: {  	v13 =	vand.u32 $0xFFFF, v13;
	v17 =	vshrl.u32 v8, $0x10;
	v18 =	vand.u32 $0xFFFF, v8;
	v8 =	vld [tilespmem:s17+$0x10];
	[tilespmem:s15+$0xFFFFFFE0] =	vst v15  }
0x69: {  	v19 =	vshrl.u32 v16, $0x10;
	v16 =	vand.u32 $0xFFFF, v16;
	v20 =	vld [tilespmem:s17+$0x20];
	v21 =	vpop (erf);
	(erf) = vpow2.f32 v11  }
0x6a: {  	v11 =	vld [tilespmem:s17+$0xFFFFFFC0];
	[tilespmem:s15+$0xFFFFFFF0] =	vst v21  }
0x6b: {  	v22 =	vshrl.u32 v14, $0x10;
	v14 =	vand.u32 $0xFFFF, v14;
	[tilespmem:v1+s12+$0x0] =	vst.idx.add.f32.msk $0xffff, v12;
	v12 =	vpop (erf);
	v1 =	vmov v17  }
0x6c: {  	v23 =	vshrl.u32 v10, $0x10;
	v10 =	vand.u32 $0xFFFF, v10;
	v24 =	vld.idx.msk [tilespmem:v3+s3+$0x0], $0xffff;
	[tilespmem:s15+$0xFFFFFFC0] =	vst v12  }
0x6d: {  	v25 =	vshrl.u32 v8, $0x10;
	v26 =	vand.u32 $0xFFFF, v8;
	v13 =	vld.idx.msk [tilespmem:v13+s10+$0x0], $0xffff;
	v27 =	vpop (erf)  }
0x6e: {  	v17 =	vld.idx.msk [tilespmem:v17+s3+$0x0], $0xffff;
	v8 =	vshrl.u32 v20, $0x10;
	v20 =	vand.u32 $0xFFFF, v20;
	[tilespmem:s15+$0x0] =	vst v27  }
0x6f: {  	v28 =	vshrl.u32 v11, $0x10;
	v11 =	vand.u32 $0xFFFF, v11;
	v18 =	vld.idx.msk [tilespmem:v18+s10+$0x0], $0xffff;
	v29 =	vpop (erf)  }
0x70: {  	v30 =	vld.idx.msk [tilespmem:v19+s3+$0x0], $0xffff;
	[tilespmem:s15+$0x10] =	vst v29  }
0x71: {  	v16 =	vld.idx.msk [tilespmem:v16+s10+$0x0], $0xffff  }
0x72: {  	v31 =	vld.idx.msk [tilespmem:v22+s3+$0x0], $0xffff;
	v32 =	vpop (erf)  }
0x73: {  	v13 =	vadd.f32 v13, v24;
	v14 =	vld.idx.msk [tilespmem:v14+s10+$0x0], $0xffff;
	[tilespmem:s15+$0x20] =	vst v32  }
0x74: {  	v24 =	vld.idx.msk [tilespmem:v28+s3+$0x0], $0xffff  }
0x75: {  	v17 =	vadd.f32 v18, v17;
	v18 =	vmul.f32 $2.000000030e-01, v13;
	v11 =	vld.idx.msk [tilespmem:v11+s10+$0x0], $0xffff  }
0x76: {  	v33 =	vld.idx.msk [tilespmem:v23+s3+$0x0], $0xffff  }
0x77: {  	v34 =	vmul.f32 $2.000000030e-01, v17;
	v16 =	vadd.f32 v16, v30;
	v13 =	vmax.f32 v13, v18;
	v10 =	vld.idx.msk [tilespmem:v10+s10+$0x0], $0xffff  }
0x78: {  	v13 =	vmul.f32 $1.442695020e+00, v13;
	v18 =	vld.idx.msk [tilespmem:v25+s3+$0x0], $0xffff  }
0x79: {  	v17 =	vmax.f32 v17, v34;
	v30 =	vmul.f32 $2.000000030e-01, v16;
	v14 =	vadd.f32 v14, v31;
	v26 =	vld.idx.msk [tilespmem:v26+s10+$0x0], $0xffff  }
0x7a: {  	v17 =	vmul.f32 $1.442695020e+00, v17;
	v31 =	vld.idx.msk [tilespmem:v8+s3+$0x0], $0xffff;
	(erf) = vpow2.f32 v13  }
0x7b: {  	v11 =	vadd.f32 v11, v24;
	v13 =	vmax.f32 v16, v30;
	v16 =	vmul.f32 $2.000000030e-01, v14;
	v20 =	vld.idx.msk [tilespmem:v20+s10+$0x0], $0xffff  }
0x7c: {  	v13 =	vmul.f32 $1.442695020e+00, v13;
	(erf) = vpow2.f32 v17;
	[tilespmem:v5+s12+$0x0] =	vst.idx.add.f32.msk $0xffff, v12;
	v5 =	vmov v28  }
.Ltmp1:
0x7d: {  	v12 =	vmul.f32 $2.000000030e-01, v11;
	v14 =	vmax.f32 v14, v16;
	v16 =	vadd.f32 v10, v33;
	[tilespmem:v2+s12+$0x0] =	vst.idx.add.f32.msk $0xffff, v15;
	(pc) =	sbr.rel @p0 .LBB2_4-.Ltmp1, $4  }
0x7e: {  	v15 =	vmul.f32 $1.442695020e+00, v14;
	v2 =	vmovc v19;
	(erf) = vpow2.f32 v13;
	[tilespmem:v4+s12+$0x0] =	vst.idx.add.f32.msk $0xffff, v21;
	v4 =	vmov v22  }
0x7f: {  	v11 =	vmax.f32 v11, v12;
	v12 =	vmul.f32 $2.000000030e-01, v16;
	v10 =	vadd.f32 v26, v18;
	[tilespmem:v6+s12+$0x0] =	vst.idx.add.f32.msk $0xffff, v27  }
0x80: {  	v14 =	vmul.f32 $1.442695020e+00, v11;
	v6 =	vmovc v23;
	(erf) = vpow2.f32 v15;
	[tilespmem:v7+s12+$0x0] =	vst.idx.add.f32.msk $0xffff, v29;
	v7 =	vmov v25  }
0x81: {  	s17 =	sadd.s32 $0x80, s17;
	v15 =	vmax.f32 v16, v12;
	v12 =	vmul.f32 $2.000000030e-01, v10;
	v11 =	vadd.f32 v20, v31;
	[tilespmem:v9+s12+$0x0] =	vst.idx.add.f32.msk $0xffff, v32  }
0x82: {  	_ = 	snop  }
0x83: {  	v57 =	vmul.f32 $1.442695020e+00, v15;
	(erf) = vpow2.f32 v14  }
0x84: {  	s15 =	sadd.s32 $0x80, s15;
	v9 =	vmul.f32 $2.000000030e-01, v11;
	v10 =	vmax.f32 v10, v12;
	v58 =	vpop (erf)  }
0x85: {  	v10 =	vmul.f32 $1.442695020e+00, v10;
	(erf) = vpow2.f32 v57;
	[tilespmem:s15+$0x30] =	vst v58  }
0x86: {  	v9 =	vmax.f32 v11, v9;
	v59 =	vpop (erf);
	[tilespmem:v3+s12+$0x0] =	vst.idx.add.f32.msk $0xffff, v58  }
0x87: {  	v9 =	vmul.f32 $1.442695020e+00, v9;
	(erf) = vpow2.f32 v10;
	[tilespmem:s15+$0xFFFFFFD0] =	vst v59  }
0x88: {  	v3 =	vpop (erf);
	[tilespmem:v1+s12+$0x0] =	vst.idx.add.f32.msk $0xffff, v59  }
0x89: {  	(erf) = vpow2.f32 v9;
	[tilespmem:s15+$0xFFFFFFE0] =	vst v3  }
0x8a: {  	v60 =	vpop (erf);
	[tilespmem:v2+s12+$0x0] =	vst.idx.add.f32.msk $0xffff, v3  }
0x8b: {  	[tilespmem:s15+$0xFFFFFFF0] =	vst v60  }
0x8c: {  	v1 =	vpop (erf);
	[tilespmem:v4+s12+$0x0] =	vst.idx.add.f32.msk $0xffff, v60  }
0x8d: {  	[tilespmem:s15+$0xFFFFFFC0] =	vst v1  }
0x8e: {  	v61 =	vpop (erf);
	[tilespmem:v5+s12+$0x0] =	vst.idx.add.f32.msk $0xffff, v1  }
0x8f: {  	[tilespmem:s15+$0x0] =	vst v61  }
0x90: {  	v62 =	vpop (erf);
	[tilespmem:v6+s12+$0x0] =	vst.idx.add.f32.msk $0xffff, v61  }
0x91: {  	[tilespmem:s15+$0x10] =	vst v62  }
0x92: {  	v63 =	vpop (erf);
	[tilespmem:v7+s12+$0x0] =	vst.idx.add.f32.msk $0xffff, v62  }
0x93: {  	[tilespmem:s15+$0x20] =	vst v63  }
0x94: {  	[tilespmem:v8+s12+$0x0] =	vst.idx.add.f32.msk $0xffff, v63  }
0x95: {  	v1 =	vld [tilespmem:$0x7600];
	_ =	sdelay $0x4  }
0x96: {  	v2 =	vshrl.u32 v1, $0x10  }
0x97: {  	v1 =	vand.u32 $0xFFFF, v1;
	_ =	sdelay $0x3  }
0x98: {  	v3 =	vld.idx.msk [tilespmem:v2+s3+$0x0], $0xffff  }
0x99: {  	v1 =	vld.idx.msk [tilespmem:v1+s10+$0x0], $0xffff;
	_ =	sdelay $0x4  }
0x9a: {  	v1 =	vadd.f32 v1, v3;
	_ =	sdelay $0x1  }
0x9b: {  	v3 =	vmul.f32 $2.000000030e-01, v1;
	_ =	sdelay $0x1  }
0x9c: {  	v1 =	vmax.f32 v1, v3  }
0x9d: {  	v1 =	vmul.f32 $1.442695020e+00, v1;
	_ =	sdelay $0x1  }
0x9e: {  	(erf) = vpow2.f32 v1;
	_ =	sdelay $0x8  }
0x9f: {  	v1 =	vpop (erf)  }
0xa0: {  	[tilespmem:$0x9D80] =	vst v1  }
0xa1: {  	[tilespmem:v2+s12+$0x0] =	vst.idx.add.f32.msk $0xffff, v1  }
0xa2: {  	[hbm4b:s6+s3] =	stream.linear.scatter [tilespmem:s13], [sflag:$0x1], $0x2710, $0x38;
	[tilespmem:$0xC580] =	vst v63  }
0xa3: {  	s14 =	sadd.s32 $0x1, s14;
	_ =	swait.ge [sflag:s9], $0x2710  }
0xa4: {  	p0 =	sne.s32 s14, s8;
	[sflag:s9] =	ssyncset.done $0x0  }
.Ltmp2:
0xa5: {  	[sflag:s9] =	ssyncadd.s32 $0xFFFFD8F0;
	(pc) =	sbr.rel @p0 .LBB2_1-.Ltmp2, $4  }
0xa6: {  	[hbm4b:s7+s3] =	stream.linear.scatter [tilespmem:s12], [sflag:$0x1], $0x2710, $0x38;
	[tilespmem:$0xC580] =	vst v63  }
0xa7: {  	_ =	swait.ge [sflag:s9], $0x2710  }
0xa8: {  	[sflag:s9] =	ssyncset.done $0x0  }
0xa9: {  	[sflag:s9] =	ssyncadd.s32 $0xFFFFD8F0  }
0xaa: {  	_ =	sfence.sel $0x180000  }
0xab: {  	[bflag:$0x0] =	sbarrier.arrive $0xFFFF  }
0xac: {  	p0 =	sne.s32 s0, $0x0;
	_ =	strace $0x90000047  }
0xad: {  	s0 =	sadd.s32 @!p0 $0x100000, s1;
	[bflag:$0x2] =	sbarrier.arrive $0xFFFF  }
0xae: {  	[sflag:s0] =	ssyncadd.tile.s32 @!p0 $0x1;
	_ =	shalt  }
.Lfunc_end2:
_tile_overlayer_lowered:
.L_overlay_start_2:
0xaf: {  	(tag) =	ssettag $0x2  }
0xb0: {  	s0 =	rddreg [dreg:$0x0];
	s2 =	stileid.u32  }
0xb1: {  	s1 =	rddreg [dreg:$0x1];
	p0 =	sne.s32 s2, $0x0  }
0xb2: {  	s3 =	rddreg [dreg:$0x2];
	[bflag:$0x3] =	sbarrier.arrive $0xFFFF;
	s2 =	simm.s32 @!p0 $0x1C01  }
0xb3: {  	[timem:s3], [sflag:s2] =	dma.local @!p0 [hbm:s0], s1  }
0xb4: {  	s0 =	simm.s32 @!p0 $0x1  }
0xb5: {  	_ =	swait.ge @!p0 [sflag:s0], s1  }
0xb6: {  	s1 =	ssub.s32 @!p0 $0x0, s1;
	[sflag:s0] =	ssyncset.done @!p0 $0x0  }
0xb7: {  	[sflag:s0] =	ssyncadd.s32 @!p0 s1  }
0xb8: {  	[bflag:$0x3] =	sbarrier.arrive $0xFFFF  }
0xb9: {  	_ =	shalt  }

// kernel: kernel.9.cloned.1.call-start
scs
__scs_entry_jumppad:
0x0: {  	(pc) =	sbr.rel $0x88, $3  }
0x1: {  	(tag) =	ssettag $0x0;
	lr =	simm.s32 $0x1  }
0x2: {  	[smem:$0x3F9A] =	sst lr;
	_ =	strace $0xD0000000  }
0x3: {  	_ = 	snop  }
0x4: {  	_ = 	snop  }
0x5: {  	_ = 	snop  }
0x6: {  	_ = 	snop  }
0x7: {  	_ = 	snop  }
__scs_overlays_trampoline_lowered:
0x8: {  	[smem:$0x3FA9] =	sst s0  }
0x9: {  	[smem:$0x3FAA] =	sst s1  }
0xa: {  	[smem:$0x3FAB] =	sst s2  }
0xb: {  	[smem:$0x3FAC] =	sst s3  }
0xc: {  	[smem:$0x3FAD] =	sst s4  }
0xd: {  	[smem:$0x3FAE] =	sst s5  }
0xe: {  	[smem:$0x3FAF] =	sst s6  }
0xf: {  	[smem:$0x3FB0] =	sst s7  }
0x10: {  	[smem:$0x3FB1] =	sst s8  }
0x11: {  	[smem:$0x3FB2] =	sst s9;
	s0 =	simm.s32 @!p0 $0x0  }
0x12: {  	s1 =	sld [smem:$0x3F98];
	s0 =	simm.s32 @p0 $0x1  }
0x13: {  	[smem:$0x3FB3] =	sst s0;
	s0 =	simm.s32 @!p1 $0x0  }
0x14: {  	s2 =	sld [smem:$0x3F97];
	s0 =	simm.s32 @p1 $0x1  }
0x15: {  	[smem:$0x3FB4] =	sst s0;
	s0 =	simm.s32 @!p2 $0x0  }
0x16: {  	s3 =	sld [smem:$0x3FDB];
	s0 =	simm.s32 @p2 $0x1  }
0x17: {  	s4 =	simm.s32 $0x1BF5;
	[smem:$0x3FB6] =	sst s0  }
0x18: {  	s0 =	sld [smem:$0x3F99];
	_ =	swait.ge [sflag:s4], $0x0  }
0x19: {  	s7 =	sld [smem:$0x3F9A]  }
0x1a: {  	s8 =	sadd.s32 $0xFFFFE003, lr  }
0x1b: {  	s9 =	sadd.s32 $0xFFFFFEF7, lr;
	s5 =	simm.s32 $0xFFFFFFFF;
	p2 =	slt.u32 s8, $0xFFFFF086  }
0x1c: {  	p1 =	slt.u32 s9, $0xF7A;
	s5 =	simm.s32 @!p2 $0x0  }
0x1d: {  	s5 =	simm.s32 @p1 $0x1;
	p0 =	seq.s32 s7, s2  }
0x1e: {  	s7 =	smul.u32 @!p0 $0xF7A, s2;
	p2 =	seq.s32 @!p0 s5, $0x0  }
0x1f: {  	s9 =	smul.u32 $0xF7A, s1;
	s8 =	simm.s32 @!p0 $0x1BF5;
	p2 =	por !p2, p0  }
0x20: {  	[sflag:s8] =	ssyncset.s32 @!p0 $0xFFFFF086;
	s6 =	sadd.s32 @!p0 s3, s7;
	s7 =	simm.s32 @!p0 $0x108  }
0x21: {  	s3 =	sadd.s32 s3, s9;
	s6 =	sadd.s32 @!p0 $0x88, s6;
	s7 =	simm.s32 @p2 $0x1082  }
0x22: {  	[simem:s7], [sflag:s8] =	dma.local @!p0 [hbm:s6], $0xF7A  }
0x23: {  	s9 =	sor.u32 $0xD0000000, s2;
	s6 =	simm.s32 $0x108;
	_ =	swait.ge @!p0 [sflag:s8], $0x0  }
0x24: {  	s3 =	sadd.s32 $0x88, s3;
	s6 =	simm.s32 @!p1 $0x1082;
	[sflag:s4] =	ssyncset.s32 $0xFFFFF086  }
0x25: {  	[simem:s6], [sflag:s4] =	dma.local [hbm:s3], $0xF7A  }
0x26: {  	[smem:$0x3F9A] =	sst s1;
	(tag) =	ssettag s2;
	_ =	strace s9  }
0x27: {  	s1 =	sld [smem:$0x3FAA]  }
0x28: {  	s2 =	sld [smem:$0x3FAB]  }
0x29: {  	s4 =	sld [smem:$0x3FAD]  }
0x2a: {  	p0 =	seq.s32 s5, $0x0;
	s5 =	sld [smem:$0x3FAE]  }
0x2b: {  	s6 =	sld [smem:$0x3FAF]  }
0x2c: {  	s7 =	sld [smem:$0x3FB0]  }
0x2d: {  	s3 =	simm.s32 $0x108;
	s8 =	sld [smem:$0x3FB1]  }
0x2e: {  	s3 =	simm.s32 @!p0 $0x1082;
	s9 =	sld [smem:$0x3FB2]  }
0x2f: {  	lr =	sadd.s32 s0, s3;
	s0 =	sld [smem:$0x3FA9]  }
0x30: {  	s3 =	sld [smem:$0x3FAC]  }
0x31: {  	[smem:$0x3FB5] =	sst s10  }
0x32: {  	s10 =	sld [smem:$0x3FB3];
	_ =	sdelay $0x3  }
0x33: {  	p0 =	seq.s32 s10, $0x1;
	s10 =	sld [smem:$0x3FB5];
	_ =	sdelay $0x3  }
0x34: {  	[smem:$0x3FB5] =	sst s10  }
0x35: {  	s10 =	sld [smem:$0x3FB4];
	_ =	sdelay $0x3  }
0x36: {  	p1 =	seq.s32 s10, $0x1;
	s10 =	sld [smem:$0x3FB5];
	_ =	sdelay $0x3  }
0x37: {  	[smem:$0x3FB5] =	sst s10  }
0x38: {  	s10 =	sld [smem:$0x3FB6]  }
0x39: {  	_ = 	snop;
	(pc) =	sbr.ind lr, $3  }
0x3a: {  	_ = 	snop  }
0x3b: {  	_ = 	snop  }
0x3c: {  	p2 =	seq.s32 s10, $0x1;
	s10 =	sld [smem:$0x3FB5]  }
0x3d: {  	_ =	shalt  }
0x3e: {  	_ =	shalt  }
0x3f: {  	_ =	shalt  }
0x40: {  	_ =	shalt  }
0x41: {  	_ =	shalt  }
0x42: {  	_ =	shalt  }
0x43: {  	_ =	shalt  }
0x44: {  	_ =	shalt  }
0x45: {  	_ =	shalt  }
0x46: {  	_ =	shalt  }
0x47: {  	_ =	shalt  }
0x48: {  	_ =	shalt  }
0x49: {  	_ =	shalt  }
0x4a: {  	_ =	shalt  }
0x4b: {  	_ =	shalt  }
0x4c: {  	_ =	shalt  }
0x4d: {  	_ =	shalt  }
0x4e: {  	_ =	shalt  }
0x4f: {  	_ =	shalt  }
0x50: {  	_ =	shalt  }
0x51: {  	_ =	shalt  }
0x52: {  	_ =	shalt  }
0x53: {  	_ =	shalt  }
0x54: {  	_ =	shalt  }
0x55: {  	_ =	shalt  }
0x56: {  	_ =	shalt  }
0x57: {  	_ =	shalt  }
0x58: {  	_ =	shalt  }
0x59: {  	_ =	shalt  }
0x5a: {  	_ =	shalt  }
0x5b: {  	_ =	shalt  }
0x5c: {  	_ =	shalt  }
0x5d: {  	_ =	shalt  }
0x5e: {  	_ =	shalt  }
0x5f: {  	_ =	shalt  }
0x60: {  	_ =	shalt  }
0x61: {  	_ =	shalt  }
0x62: {  	_ =	shalt  }
0x63: {  	_ =	shalt  }
0x64: {  	_ =	shalt  }
0x65: {  	_ =	shalt  }
0x66: {  	_ =	shalt  }
0x67: {  	_ =	shalt  }
0x68: {  	_ =	shalt  }
0x69: {  	_ =	shalt  }
0x6a: {  	_ =	shalt  }
0x6b: {  	_ =	shalt  }
0x6c: {  	_ =	shalt  }
0x6d: {  	_ =	shalt  }
0x6e: {  	_ =	shalt  }
0x6f: {  	_ =	shalt  }
0x70: {  	_ =	shalt  }
0x71: {  	_ =	shalt  }
0x72: {  	_ =	shalt  }
0x73: {  	_ =	shalt  }
0x74: {  	_ =	shalt  }
0x75: {  	_ =	shalt  }
0x76: {  	_ =	shalt  }
0x77: {  	_ =	shalt  }
0x78: {  	_ =	shalt  }
0x79: {  	_ =	shalt  }
0x7a: {  	_ =	shalt  }
0x7b: {  	_ =	shalt  }
0x7c: {  	_ =	shalt  }
0x7d: {  	_ =	shalt  }
0x7e: {  	_ =	shalt  }
0x7f: {  	_ =	shalt  }
0x80: {  	_ =	shalt  }
0x81: {  	_ =	shalt  }
0x82: {  	_ =	shalt  }
0x83: {  	_ =	shalt  }
0x84: {  	_ =	shalt  }
0x85: {  	_ =	shalt  }
0x86: {  	_ =	shalt  }
0x87: {  	_ =	shalt  }
.Lfunc_end0:
.L_simem_size_0:
called_computation.1_lowered:
.L_overlay_start_0:
0x88: {  	s2 =	sld [smem:$0x3FD9]  }
0x89: {  	s3 =	sld [smem:$0x3FFE];
	_ =	sdelay $0x1  }
0x8a: {  	s1 =	srdreg.scid  }
0x8b: {  	s0 =	sand.u32 $0x1, s1  }
0x8c: {  	s17 =	sshll.u32 s0, $0xA;
	s2 =	sadd.s32 s3, s2  }
0x8d: {  	s2 =	sadd.s32 s2, s17  }
0x8e: {  	[smem:$0x3FC1] =	sst s2  }
0x8f: {  	_ = 	snop  }
0x90: {  	s2 =	sld [smem:$0x3FD0];
	(tm) =	ssettm $0x1  }
0x91: {  	s18 =	sld [smem:$0x3FFB];
	_ =	sdelay $0x3  }
0x92: {  	_ =	strace s18  }
0x93: {  	s3 =	sld [smem:$0x3FFC];
	_ =	sdelay $0x3  }
0x94: {  	_ =	strace s3  }
0x95: {  	s3 =	sld [smem:$0x3FFD];
	_ =	sdelay $0x3  }
0x96: {  	_ =	strace s3  }
0x97: {  	_ =	strace $0x8FFFFFFF  }
0x98: {  	s19 =	sld [smem:$0x3FDB];
	_ =	sdelay $0x1  }
0x99: {  	s4 =	simm.s32 $_scs_section_size  }
0x9a: {  	s5 =	simm.s32 $_size__tile_overlayer_lowered;
	s6 =	simm.s32 $_tile_overlayer_lowered  }
0x9b: {  	s22 =	simm.s32 $0x1BFF;
	s21 =	sshll.u32 s6, $0x1;
	s3 =	sadd.s32 s4, s19  }
0x9c: {  	s7 =	simm.s32 $0x0;
	s20 =	sshll.u32 s5, $0x1;
	s5 =	sadd.s32 s21, s3  }
0x9d: {  	[timem:s7], [sflag:s22] =	dma.local [hbm:s5], s20  }
0x9e: {  	_ =	swait.ge [sflag:s22], s20  }
0x9f: {  	s4 =	ssub.s32 $0x0, s20;
	[sflag:s22] =	ssyncset.done $0x0  }
0xa0: {  	[sflag:s22] =	ssyncadd.s32 s4;
	_ =	sdelay $0x1  }
0xa1: {  	s23 =	simm.s32 $0x1B8B  }
0xa2: {  	_ =	swait.ge [sflag:s23], $0x1  }
0xa3: {  	[sflag:s23] =	ssyncset.done $0x0  }
0xa4: {  	s25 =	simm.s32 $0x1B8E;
	s24 =	sld [smem:$0x3FFE];
	[sflag:s23] =	ssyncadd.s32 $0xFFFFFFFF  }
0xa5: {  	s26 =	simm.s32 $execute0_lowered;
	[smem:$0x3FD2] =	sst s25  }
0xa6: {  	s5 =	sshll.u32 s26, $0x1;
	_ =	strace $0x80000049;
	[dreg:$0x1] =	wrdreg $0xFFFFFFFF  }
0xa7: {  	s28 =	simm.s32 $_size_execute0_lowered;
	s3 =	sadd.s32 s3, s5;
	[dreg:$0x0] =	wrdreg $0x0  }
0xa8: {  	s5 =	sshll.u32 s28, $0x1;
	[dreg:$0x2] =	wrdreg s3  }
0xa9: {  	[dreg:$0x3] =	wrdreg s5  }
0xaa: {  	[dreg:$0x4] =	wrdreg $0xC0  }
0xab: {  	_ =	task [dreg:s7], $0x5FFFF  }
0xac: {  	[dreg:$0x1] =	wrdreg $0xFFFFFFFF  }
0xad: {  	[dreg:$0x0] =	wrdreg $0x60  }
0xae: {  	[dreg:$0x2] =	wrdreg s24  }
0xaf: {  	[dreg:$0x3] =	wrdreg s2  }
0xb0: {  	[dreg:$0x4] =	wrdreg $0x9  }
0xb1: {  	_ =	task.clear_ibuf [dreg:s7], $0x5FFFF;
	_ =	strace $0x90000049  }
0xb2: {  	s29 =	simm.s32 $0x9;
	_ =	strace $0x8000004B  }
0xb3: {  	_ =	swait.ge [sflag:s29], $0x1  }
0xb4: {  	[sflag:s29] =	ssyncadd.s32 $0xFFFFFFFF  }
0xb5: {  	_ =	strace $0x9000004B  }
0xb6: {  	_ =	sfence  }
0xb7: {  	s30 =	sld [smem:$0x0];
	_ =	sdelay $0x2  }
0xb8: {  	s31 =	sshll.u32 s1, $0xD;
	s1 =	sshrl.u32 s1, $0x2  }
0xb9: {  	s3 =	sand.u32 $0x4000, s31;
	s1 =	sadd.s32 s1, s30  }
0xba: {  	s0 =	sor.u32 s3, s0;
	s1 =	sshll.u32 s1, $0x11  }
0xbb: {  	s0 =	sor.u32 s1, s0  }
0xbc: {  	s0 =	sadd.s32 $0x8F2B, s0  }
0xbd: {  	[sflag:s0] =	ssyncadd.remote.s32 $0x1  }
0xbe: {  	_ =	sfence.sel $0xFFFF  }
0xbf: {  	[dreg:$0x0] =	wrdreg $0xFFFFFFFF;
	(pc) =	sbr.abs _section_cstart, $3  }
0xc0: {  	[dreg:$0x1] =	wrdreg $0xFFFFFFFF  }
0xc1: {  	_ =	task.clear_ibuf [dreg:s7], $0x2FFFF;
	_ =	strace $0x9FFFFFFF  }
0xc2: {  	(tm) =	ssettm $0x7FFFFFFF  }
0xc3: {  	_ =	shalt  }
tec
execute0_lowered:
.L_overlay_start_1:
0x0: {  	(tag) =	ssettag $0x1  }
0x1: {  	s5 =	rddreg [dreg:$0x0]  }
0x2: {  	s7 =	rddreg [dreg:$0x1]  }
0x3: {  	s0 =	rddreg [dreg:$0x2]  }
0x4: {  	s2 =	simm.s32 $0x0;
	s3 =	srdreg.scid;
	s1 =	stileid.u32  }
0x5: {  	s13 =	simm.s32 $0x2710;
	s14 =	simm.s32 $0x4E80;
	s15 =	simm.s32 $0x7590  }
0x6: {  	s16 =	simm.s32 $0x9CA0;
	s6 =	sand.u32 $0x1, s3;
	s4 =	sshll.u32 s1, $0x1  }
0x7: {  	s17 =	simm.s32 $0xC3B0;
	s18 =	simm.s32 $0x0;
	s8 =	sor.u32 s6, s4  }
0x8: {  	[smem:$0x7FF] =	sst s2;
	s3 =	sadd.s32 $0x2000, s5;
	s9 =	smul.u32 $0x4E20, s8  }
0x9: {  	_ =	strace $0x8000004A;
	s6 =	ssub.s32 $0x2, s6;
	s11 =	smul.u32 $0x9C40, s8  }
0xa: {  	s4 =	sadd.s32 $0x16200, s5;
	s10 =	sshrl.u32 s6, $0x1;
	s30 =	smul.u32 $0x9C4, s8  }
0xb: {  	s5 =	sadd.s32 $0x20000, s5;
	s8 =	smul.u32 $0x1388, s8;
	s12 =	ssub.s32 s6, s10  }
0xc: {  	s9 =	sshrl.u32 s9, $0x3;
	s31 =	sshrl.u32 s11, $0x3;
	s11 =	smax.u32 s12, $0x1  }
0xd: {  	s12 =	simm.s32 $0x5;
	s9 =	sadd.s32 s5, s9;
	s5 =	sadd.s32 s5, s30  }
0xe: {  	s10 =	sadd.s32 s7, s31;
	s7 =	sadd.s32 s7, s8;
	s6 =	sadd.s32 $0x4E2, s9  }
0xf: {  	v0 =	vimm.f32 $0.0e+00;
	s8 =	sadd.s32 $0x4E2, s10;
	s9 =	sadd.s32 $0x9C4, s10;
	s10 =	sadd.s32 $0xEA6, s10  }
.LBB2_1:
0x10: {  	[tilespmem:s2], [sflag:$0x5] =	stream.linear.gather [hbm4b:s5+s2], $0x2710, $0x38;
	[tilespmem:$0x14F00] =	vst v63  }
0x11: {  	_ =	swait.ge [sflag:s12], $0x2710  }
0x12: {  	[sflag:s12] =	ssyncset.done $0x0  }
0x13: {  	[sflag:s12] =	ssyncadd.s32 $0xFFFFD8F0  }
0x14: {  	[tilespmem:s13], [sflag:$0x5] =	stream.linear.gather [hbm4b:s6+s2], $0x2710, $0x38;
	[tilespmem:$0x14F00] =	vst v63  }
0x15: {  	_ =	swait.ge [sflag:s12], $0x2710  }
0x16: {  	[sflag:s12] =	ssyncset.done $0x0  }
0x17: {  	[sflag:s12] =	ssyncadd.s32 $0xFFFFD8F0  }
0x18: {  	[tilespmem:s14+$0x0] =	vst v0  }
0x19: {  	[tilespmem:s14+$0x75A0] =	vst v0  }
0x1a: {  	[tilespmem:s14+$0x4E90] =	vst v0  }
0x1b: {  	[tilespmem:s14+$0x2780] =	vst v0  }
0x1c: {  	[tilespmem:s14+$0x70] =	vst v0  }
0x1d: {  	[tilespmem:s14+$0x7590] =	vst v0  }
0x1e: {  	[tilespmem:s14+$0x4E80] =	vst v0  }
0x1f: {  	[tilespmem:s14+$0x2770] =	vst v0  }
0x20: {  	[tilespmem:s14+$0x60] =	vst v0  }
0x21: {  	[tilespmem:s14+$0x7580] =	vst v0  }
0x22: {  	[tilespmem:s14+$0x4E70] =	vst v0  }
0x23: {  	[tilespmem:s14+$0x2760] =	vst v0  }
0x24: {  	[tilespmem:s14+$0x50] =	vst v0  }
0x25: {  	[tilespmem:s14+$0x7570] =	vst v0  }
0x26: {  	[tilespmem:s14+$0x4E60] =	vst v0  }
0x27: {  	[tilespmem:s14+$0x2750] =	vst v0  }
0x28: {  	[tilespmem:s14+$0x40] =	vst v0  }
0x29: {  	[tilespmem:s14+$0x7560] =	vst v0  }
0x2a: {  	[tilespmem:s14+$0x4E50] =	vst v0  }
0x2b: {  	[tilespmem:s14+$0x2740] =	vst v0  }
0x2c: {  	[tilespmem:s14+$0x30] =	vst v0  }
0x2d: {  	[tilespmem:s14+$0x7550] =	vst v0  }
0x2e: {  	[tilespmem:s14+$0x4E40] =	vst v0  }
0x2f: {  	[tilespmem:s14+$0x2730] =	vst v0  }
0x30: {  	[tilespmem:s14+$0x20] =	vst v0  }
0x31: {  	[tilespmem:s14+$0x7540] =	vst v0  }
0x32: {  	[tilespmem:s14+$0x4E30] =	vst v0  }
0x33: {  	[tilespmem:s14+$0x2720] =	vst v0  }
0x34: {  	[tilespmem:s14+$0x10] =	vst v0  }
0x35: {  	[tilespmem:s14+$0x7530] =	vst v0  }
0x36: {  	s19 =	simm.s32 $0x0;
	s20 =	simm.s32 $0x4E80;
	[tilespmem:s14+$0x4E20] =	vst v0  }
.LBB2_2:
0x37: {  	s19 =	sadd.s32 $0x8, s19;
	[tilespmem:s20+$0x2710] =	vst v0;
	s20 =	sadd.s32 $0x80, s20  }
0x38: {  	[tilespmem:s20+$0x0] =	vst v0;
	p0 =	slt.u32 s19, $0x268  }
0x39: {  	[tilespmem:s20+$0x75A0] =	vst v0  }
0x3a: {  	[tilespmem:s20+$0x4E90] =	vst v0  }
0x3b: {  	[tilespmem:s20+$0x2780] =	vst v0  }
0x3c: {  	[tilespmem:s20+$0x70] =	vst v0  }
0x3d: {  	[tilespmem:s20+$0x7590] =	vst v0  }
0x3e: {  	[tilespmem:s20+$0x4E80] =	vst v0  }
0x3f: {  	[tilespmem:s20+$0x2770] =	vst v0  }
0x40: {  	[tilespmem:s20+$0x60] =	vst v0  }
0x41: {  	[tilespmem:s20+$0x7580] =	vst v0  }
0x42: {  	[tilespmem:s20+$0x4E70] =	vst v0  }
0x43: {  	[tilespmem:s20+$0x2760] =	vst v0  }
0x44: {  	[tilespmem:s20+$0x50] =	vst v0  }
0x45: {  	[tilespmem:s20+$0x7570] =	vst v0  }
0x46: {  	[tilespmem:s20+$0x4E60] =	vst v0  }
0x47: {  	[tilespmem:s20+$0x2750] =	vst v0  }
0x48: {  	[tilespmem:s20+$0x40] =	vst v0  }
0x49: {  	[tilespmem:s20+$0x7560] =	vst v0  }
0x4a: {  	[tilespmem:s20+$0x4E50] =	vst v0  }
0x4b: {  	[tilespmem:s20+$0x2740] =	vst v0  }
0x4c: {  	[tilespmem:s20+$0x30] =	vst v0  }
0x4d: {  	[tilespmem:s20+$0x7550] =	vst v0  }
0x4e: {  	[tilespmem:s20+$0x4E40] =	vst v0  }
0x4f: {  	[tilespmem:s20+$0x2730] =	vst v0  }
0x50: {  	[tilespmem:s20+$0x20] =	vst v0  }
0x51: {  	[tilespmem:s20+$0x7540] =	vst v0  }
.Ltmp0:
0x52: {  	[tilespmem:s20+$0x4E30] =	vst v0;
	(pc) =	sbr.rel @p0 .LBB2_2-.Ltmp0, $4  }
0x53: {  	[tilespmem:s20+$0x2720] =	vst v0  }
0x54: {  	[tilespmem:s20+$0x10] =	vst v0  }
0x55: {  	[tilespmem:s20+$0x7530] =	vst v0  }
0x56: {  	[tilespmem:s20+$0x4E20] =	vst v0  }
0x57: {  	[tilespmem:s20+$0x2710] =	vst v0  }
0x58: {  	[tilespmem:$0x7580] =	vst v0  }
0x59: {  	[tilespmem:$0x9C90] =	vst v0  }
0x5a: {  	[tilespmem:$0xC3A0] =	vst v0  }
0x5b: {  	s20 =	simm.s32 $0x0;
	s19 =	simm.s32 $0xEB00;
	s21 =	simm.s32 $0x0;
	[tilespmem:$0xEAB0] =	vst v0  }
.LBB2_4:
0x5c: {  	p0 =	sne.s32 s21, $0x310  }
.Ltmp1:
0x5d: {  	_ = 	snop;
	(pc) =	sbr.rel @p0 .LBB2_4-.Ltmp1, $4  }
0x5e: {  	_ = 	snop  }
0x5f: {  	s22 =	sadd.s32 s21, s3  }
0x60: {  	[tilespmem:s19], [sflag:$0x1] =	stream.linear.gather [hbm4b:s22+s20], $0x80, $0x38;
	[tilespmem:$0x14F00] =	vst v63  }
0x61: {  	s21 =	sadd.s32 $0x10, s21;
	s19 =	sadd.s32 $0x100, s19  }
0x62: {  	s21 =	simm.s32 $0x11D00  }
.LBB2_6:
0x63: {  	p0 =	seq.s32 s20, $0x310  }
.Ltmp2:
0x64: {  	_ = 	snop;
	(pc) =	sbr.rel @!p0 .LBB2_6-.Ltmp2, $4  }
0x65: {  	_ = 	snop  }
0x66: {  	s22 =	sadd.s32 s20, s4;
	s19 =	simm.s32 $0x0  }
0x67: {  	[tilespmem:s21], [sflag:$0x3] =	stream.linear.gather [hbm4b:s22+s19], $0x80, $0x38;
	[tilespmem:$0x14F00] =	vst v63  }
0x68: {  	s20 =	sadd.s32 $0x10, s20;
	s21 =	sadd.s32 $0x100, s21  }
0x69: {  	p0 =	por $0x1, $0x1;
	p1 =	por $0x0, $0x0  }
.LBB2_9:
0x6a: {  	p2 =	seq.s32 s19, $0x31  }
.Ltmp3:
0x6b: {  	_ = 	snop;
	(pc) =	sbr.rel @p2 .LBB2_15-.Ltmp3, $2  }
0x6c: {  	_ =	sdelay $0x2  }
0x6d: {  	s20 =	sand.u32 $0x1, s19;
	s19 =	sadd.s32 $0x1, s19  }
0x6e: {  	s21 =	simm.s32 $0x1  }
0x6f: {  	s22 =	smul.u32 $0x320, s19;
	s21 =	simm.s32 @!p0 $0x0  }
0x70: {  	s23 =	sxor.u32 $0x1, s20;
	s28 =	simm.s32 $0x10;
	s24 =	sshll.u32 s21, $0x7  }
0x71: {  	s26 =	sadd.s32 s3, s22;
	s21 =	sor.u32 $0x11D00, s24;
	s25 =	sor.u32 $0xEB00, s24  }
0x72: {  	s24 =	sadd.s32 $0x1, s23;
	s30 =	sadd.s32 $0x0, s26;
	s29 =	sadd.s32 $0x100, s25  }
.LBB2_11:
0x73: {  	[tilespmem:s25], [sflag:s24] =	stream.linear.gather [hbm4b:s30+s2], $0x80, $0x38;
	[tilespmem:$0x14F00] =	vst v63  }
0x74: {  	s30 =	smov.u32 s28;
	s25 =	smov.u32 s29;
	p2 =	sne.s32 s28, $0x310  }
.Ltmp4:
0x75: {  	s28 =	sadd.s32 $0x10, s28;
	(pc) =	sbr.rel @p2 .LBB2_11-.Ltmp4, $2  }
0x76: {  	_ =	sdelay $0x2  }
0x77: {  	s29 =	sadd.s32 $0x100, s29;
	s30 =	sadd.s32 s30, s26  }
0x78: {  	[tilespmem:s25], [sflag:s24] =	stream.linear.gather [hbm4b:s30+s2], $0x80, $0x38;
	[tilespmem:$0x14F00] =	vst v63  }
0x79: {  	s23 =	sadd.s32 $0x3, s23;
	s22 =	sadd.s32 s4, s22  }
0x7a: {  	s24 =	simm.s32 $0x10;
	s25 =	sadd.s32 $0x100, s21;
	s26 =	sadd.s32 $0x0, s22  }
.LBB2_13:
0x7b: {  	[tilespmem:s21], [sflag:s23] =	stream.linear.gather [hbm4b:s26+s2], $0x80, $0x38;
	[tilespmem:$0x14F00] =	vst v63  }
0x7c: {  	s26 =	smov.u32 s24;
	s21 =	smov.u32 s25;
	p2 =	sne.s32 s24, $0x310  }
.Ltmp5:
0x7d: {  	s24 =	sadd.s32 $0x10, s24;
	(pc) =	sbr.rel @p2 .LBB2_13-.Ltmp5, $2  }
0x7e: {  	_ =	sdelay $0x2  }
0x7f: {  	s25 =	sadd.s32 $0x100, s25;
	s26 =	sadd.s32 s26, s22  }
0x80: {  	[tilespmem:s21], [sflag:s23] =	stream.linear.gather [hbm4b:s26+s2], $0x80, $0x38;
	[tilespmem:$0x14F00] =	vst v63  }
.LBB2_15:
0x81: {  	s21 =	sadd.s32 $0x1, s20  }
0x82: {  	_ =	swait.ge [sflag:s21], $0x1900  }
0x83: {  	[sflag:s21] =	ssyncset.done $0x0  }
0x84: {  	s22 =	simm.s32 $0x1;
	s30 =	sadd.s32 $0x3, s20;
	[sflag:s21] =	ssyncadd.s32 $0xFFFFE700  }
0x85: {  	s22 =	simm.s32 @!p1 $0x0;
	_ =	swait.ge [sflag:s30], $0x1900  }
0x86: {  	s31 =	sshll.u32 s22, $0x7;
	[sflag:s30] =	ssyncset.done $0x0  }
0x87: {  	s22 =	sor.u32 $0xEB40, s31;
	[sflag:s30] =	ssyncadd.s32 $0xFFFFE700  }
0x88: {  	v1 =	vld [tilespmem:s22+$0x30]  }
0x89: {  	v2 =	vld [tilespmem:s22+$0xFFFFFFD0]  }
0x8a: {  	v3 =	vld [tilespmem:s22+$0xFFFFFFE0]  }
0x8b: {  	v4 =	vld [tilespmem:s22+$0xFFFFFFF0]  }
0x8c: {  	v5 =	vld [tilespmem:s22+$0x0]  }
0x8d: {  	v7 =	vld [tilespmem:s22+$0x10]  }
0x8e: {  	v9 =	vld [tilespmem:s22+$0xFFFFFFC0]  }
0x8f: {  	s20 =	sor.u32 $0x11D40, s31;
	v10 =	vld [tilespmem:s22+$0x20];
	v6 =	vand.u32 $0xFFFF, v1  }
0x90: {  	v18 =	vld [tilespmem:s20+$0x30]  }
0x91: {  	v53 =	vld [tilespmem:s20+$0xFFFFFFC0]  }
0x92: {  	v54 =	vld [tilespmem:s20+$0xFFFFFFD0]  }
0x93: {  	v27 =	vld [tilespmem:s20+$0xFFFFFFE0]  }
0x94: {  	v8 =	vand.u32 $0xFFFF, v2;
	v14 =	vld.idx.msk [tilespmem:v6+s2+$0x0], $0xffff  }
0x95: {  	v28 =	vld [tilespmem:s20+$0xFFFFFFF0];
	v12 =	vand.u32 $0xFFFF, v4  }
0x96: {  	v30 =	vld [tilespmem:s20+$0x0];
	v17 =	vand.u32 $0xFFFF, v9  }
0x97: {  	v31 =	vld [tilespmem:s20+$0x10];
	v1 =	vshrl.u32 v1, $0x10  }
0x98: {  	v34 =	vld [tilespmem:s20+$0x20]  }
0x99: {  	v16 =	vld.idx.msk [tilespmem:v8+s2+$0x0], $0xffff;
	v24 =	vshll.u32 v14, $0x10  }
0x9a: {  	v11 =	vand.u32 $0xFFFF, v3;
	v21 =	vld.idx.msk [tilespmem:v12+s2+$0x0], $0xffff;
	v14 =	vand.u32 $0xFFFF0000, v14;
	v24 =	vmul.f32 v24, v18  }
0x9b: {  	v13 =	vand.u32 $0xFFFF, v5;
	v25 =	vld.idx.msk [tilespmem:v17+s2+$0x0], $0xffff;
	v14 =	vmul.f32 v14, v18  }
0x9c: {  	v15 =	vand.u32 $0xFFFF, v7;
	[tilespmem:v1+s14+$0x0] =	vst.idx.add.f32.msk $0xffff, v24  }
0x9d: {  	v19 =	vand.u32 $0xFFFF, v10;
	[tilespmem:v1+s15+$0x0] =	vst.idx.add.f32.msk $0xffff, v14  }
0x9e: {  	v9 =	vshrl.u32 v9, $0x10;
	v6 =	vld.idx.msk [tilespmem:v6+s13+$0x0], $0xffff  }
0x9f: {  	v33 =	vshrl.u32 v2, $0x10;
	v20 =	vld.idx.msk [tilespmem:v11+s2+$0x0], $0xffff  }
0xa0: {  	v4 =	vshrl.u32 v4, $0x10;
	v22 =	vld.idx.msk [tilespmem:v13+s2+$0x0], $0xffff;
	v29 =	vshll.u32 v25, $0x10  }
0xa1: {  	v23 =	vld.idx.msk [tilespmem:v15+s2+$0x0], $0xffff;
	v55 =	vshll.u32 v16, $0x10;
	v29 =	vmul.f32 v29, v53  }
0xa2: {  	v57 =	vshrl.u32 v5, $0x10;
	v26 =	vld.idx.msk [tilespmem:v19+s2+$0x0], $0xffff;
	v5 =	vshll.u32 v21, $0x10;
	v56 =	vmul.f32 v55, v54  }
0xa3: {  	v5 =	vmul.f32 v5, v28;
	[tilespmem:v9+s14+$0x0] =	vst.idx.add.f32.msk $0xffff, v29;
	v32 =	vshll.u32 v6, $0x10  }
0xa4: {  	[tilespmem:v33+s14+$0x0] =	vst.idx.add.f32.msk $0xffff, v56;
	v2 =	vand.u32 $0xFFFF0000, v6;
	v6 =	vmul.f32 v32, v18  }
0xa5: {  	v3 =	vshrl.u32 v3, $0x10;
	v25 =	vand.u32 $0xFFFF0000, v25;
	[tilespmem:v4+s14+$0x0] =	vst.idx.add.f32.msk $0xffff, v5;
	v2 =	vmul.f32 v2, v18  }
0xa6: {  	v25 =	vmul.f32 v25, v53;
	[tilespmem:v1+s16+$0x0] =	vst.idx.add.f32.msk $0xffff, v6;
	v6 =	vand.u32 $0xFFFF0000, v16  }
0xa7: {  	[tilespmem:v1+s17+$0x0] =	vst.idx.add.f32.msk $0xffff, v2;
	v1 =	vshll.u32 v20, $0x10;
	v2 =	vmul.f32 v6, v54  }
0xa8: {  	[tilespmem:v9+s15+$0x0] =	vst.idx.add.f32.msk $0xffff, v25;
	v6 =	vand.u32 $0xFFFF0000, v20;
	v1 =	vmul.f32 v1, v27  }
0xa9: {  	v6 =	vmul.f32 v6, v27;
	[tilespmem:v33+s15+$0x0] =	vst.idx.add.f32.msk $0xffff, v2;
	v2 =	vand.u32 $0xFFFF0000, v21  }
0xaa: {  	[tilespmem:v3+s14+$0x0] =	vst.idx.add.f32.msk $0xffff, v1;
	v1 =	vshrl.u32 v7, $0x10;
	v7 =	vshll.u32 v22, $0x10;
	v58 =	vmul.f32 v2, v28  }
0xab: {  	[tilespmem:v3+s15+$0x0] =	vst.idx.add.f32.msk $0xffff, v6;
	v6 =	vand.u32 $0xFFFF0000, v22;
	v7 =	vmul.f32 v7, v30  }
0xac: {  	v2 =	vshrl.u32 v10, $0x10;
	v6 =	vmul.f32 v6, v30;
	[tilespmem:v4+s15+$0x0] =	vst.idx.add.f32.msk $0xffff, v58  }
0xad: {  	v5 =	vshll.u32 v23, $0x10;
	[tilespmem:v57+s14+$0x0] =	vst.idx.add.f32.msk $0xffff, v7  }
0xae: {  	v5 =	vmul.f32 v5, v31;
	v7 =	vshll.u32 v26, $0x10;
	[tilespmem:v57+s15+$0x0] =	vst.idx.add.f32.msk $0xffff, v6  }
0xaf: {  	v6 =	vmul.f32 v7, v34;
	v7 =	vld.idx.msk [tilespmem:v11+s13+$0x0], $0xffff  }
0xb0: {  	[tilespmem:v1+s14+$0x0] =	vst.idx.add.f32.msk $0xffff, v5;
	v5 =	vand.u32 $0xFFFF0000, v26  }
0xb1: {  	v5 =	vmul.f32 v5, v34;
	[tilespmem:v2+s14+$0x0] =	vst.idx.add.f32.msk $0xffff, v6  }
0xb2: {  	v10 =	vand.u32 $0xFFFF0000, v23;
	v6 =	vld.idx.msk [tilespmem:v17+s13+$0x0], $0xffff  }
0xb3: {  	v10 =	vmul.f32 v10, v31;
	[tilespmem:v2+s15+$0x0] =	vst.idx.add.f32.msk $0xffff, v5  }
0xb4: {  	v5 =	vld.idx.msk [tilespmem:v8+s13+$0x0], $0xffff  }
0xb5: {  	[tilespmem:v1+s15+$0x0] =	vst.idx.add.f32.msk $0xffff, v10  }
0xb6: {  	v10 =	vld.idx.msk [tilespmem:v13+s13+$0x0], $0xffff  }
0xb7: {  	v59 =	vld.idx.msk [tilespmem:v15+s13+$0x0], $0xffff;
	v11 =	vshll.u32 v6, $0x10  }
0xb8: {  	v8 =	vld.idx.msk [tilespmem:v12+s13+$0x0], $0xffff;
	v6 =	vand.u32 $0xFFFF0000, v6;
	v11 =	vmul.f32 v11, v53  }
0xb9: {  	v60 =	vld.idx.msk [tilespmem:v19+s13+$0x0], $0xffff;
	v6 =	vmul.f32 v6, v53;
	v61 =	vshll.u32 v5, $0x10  }
0xba: {  	v5 =	vand.u32 $0xFFFF0000, v5;
	[tilespmem:v9+s16+$0x0] =	vst.idx.add.f32.msk $0xffff, v11;
	v11 =	vmul.f32 v61, v54  }
0xbb: {  	v62 =	vshll.u32 v7, $0x10;
	v5 =	vmul.f32 v5, v54;
	[tilespmem:v9+s17+$0x0] =	vst.idx.add.f32.msk $0xffff, v6  }
0xbc: {  	v6 =	vand.u32 $0xFFFF0000, v7;
	v7 =	vmul.f32 v62, v27;
	[tilespmem:v33+s16+$0x0] =	vst.idx.add.f32.msk $0xffff, v11  }
0xbd: {  	v9 =	vshll.u32 v8, $0x10;
	[tilespmem:v33+s17+$0x0] =	vst.idx.add.f32.msk $0xffff, v5;
	v5 =	vmul.f32 v6, v27  }
0xbe: {  	v6 =	vand.u32 $0xFFFF0000, v8;
	[tilespmem:v3+s16+$0x0] =	vst.idx.add.f32.msk $0xffff, v7;
	v7 =	vmul.f32 v9, v28  }
0xbf: {  	v8 =	vshll.u32 v10, $0x10;
	v6 =	vmul.f32 v6, v28;
	[tilespmem:v3+s17+$0x0] =	vst.idx.add.f32.msk $0xffff, v5  }
0xc0: {  	v11 =	vshll.u32 v60, $0x10;
	v8 =	vmul.f32 v8, v30;
	v3 =	vand.u32 $0xFFFF0000, v10;
	[tilespmem:v4+s16+$0x0] =	vst.idx.add.f32.msk $0xffff, v7  }
0xc1: {  	v5 =	vshll.u32 v59, $0x10;
	v7 =	vand.u32 $0xFFFF0000, v59;
	v63 =	vmul.f32 v3, v30;
	[tilespmem:v4+s17+$0x0] =	vst.idx.add.f32.msk $0xffff, v6  }
0xc2: {  	v3 =	vand.u32 $0xFFFF0000, v60;
	v10 =	vmul.f32 v5, v31;
	v9 =	vmul.f32 v7, v31;
	[tilespmem:v57+s16+$0x0] =	vst.idx.add.f32.msk $0xffff, v8  }
0xc3: {  	s21 =	simm.s32 $0x0;
	s22 =	sadd.s32 $0x100, s22;
	v5 =	vmul.f32 v11, v34;
	v3 =	vmul.f32 v3, v34;
	[tilespmem:v57+s17+$0x0] =	vst.idx.add.f32.msk $0xffff, v63  }
.LBB2_16:
0xc4: {  	v12 =	vld [tilespmem:s22+$0x30]  }
0xc5: {  	v4 =	vld [tilespmem:s22+$0xFFFFFFD0]  }
0xc6: {  	s21 =	sadd.s32 $0x8, s21;
	v6 =	vld [tilespmem:s22+$0xFFFFFFE0]  }
0xc7: {  	p2 =	slt.u32 s21, $0x188;
	v13 =	vld [tilespmem:s22+$0xFFFFFFF0]  }
0xc8: {  	v14 =	vld [tilespmem:s22+$0x0]  }
0xc9: {  	v15 =	vld [tilespmem:s22+$0x10];
	v16 =	vand.u32 $0xFFFF, v12  }
0xca: {  	v8 =	vshrl.u32 v4, $0x10;
	v11 =	vand.u32 $0xFFFF, v4;
	v17 =	vld [tilespmem:s22+$0x20]  }
0xcb: {  	v18 =	vld [tilespmem:s22+$0xFFFFFFC0];
	v7 =	vshrl.u32 v6, $0x10;
	v19 =	vand.u32 $0xFFFF, v6  }
0xcc: {  	v6 =	vshrl.u32 v13, $0x10;
	v13 =	vand.u32 $0xFFFF, v13;
	[tilespmem:v1+s16+$0x0] =	vst.idx.add.f32.msk $0xffff, v10  }
0xcd: {  	v4 =	vshrl.u32 v14, $0x10;
	v14 =	vand.u32 $0xFFFF, v14;
	[tilespmem:v1+s17+$0x0] =	vst.idx.add.f32.msk $0xffff, v9  }
0xce: {  	v1 =	vshrl.u32 v15, $0x10;
	v15 =	vand.u32 $0xFFFF, v15;
	v20 =	vld.idx.msk [tilespmem:v16+s2+$0x0], $0xffff  }
0xcf: {  	s20 =	sadd.s32 $0x100, s20;
	v21 =	vld.idx.msk [tilespmem:v11+s2+$0x0], $0xffff;
	v10 =	vshrl.u32 v17, $0x10;
	v17 =	vand.u32 $0xFFFF, v17  }
0xd0: {  	v9 =	vshrl.u32 v18, $0x10;
	v18 =	vand.u32 $0xFFFF, v18;
	v22 =	vld [tilespmem:s20+$0x30]  }
0xd1: {  	v23 =	vld.idx.msk [tilespmem:v19+s2+$0x0], $0xffff  }
0xd2: {  	v12 =	vshrl.u32 v12, $0x10;
	v24 =	vld.idx.msk [tilespmem:v13+s2+$0x0], $0xffff  }
0xd3: {  	v25 =	vld.idx.msk [tilespmem:v14+s2+$0x0], $0xffff  }
0xd4: {  	v27 =	vshll.u32 v20, $0x10;
	v26 =	vld.idx.msk [tilespmem:v15+s2+$0x0], $0xffff  }
0xd5: {  	v20 =	vand.u32 $0xFFFF0000, v20;
	v29 =	vshll.u32 v21, $0x10;
	v28 =	vld.idx.msk [tilespmem:v18+s2+$0x0], $0xffff;
	v27 =	vmul.f32 v27, v22  }
0xd6: {  	v21 =	vand.u32 $0xFFFF0000, v21;
	v20 =	vmul.f32 v20, v22;
	v30 =	vld.idx.msk [tilespmem:v17+s2+$0x0], $0xffff  }
0xd7: {  	v31 =	vshll.u32 v23, $0x10;
	v23 =	vand.u32 $0xFFFF0000, v23;
	[tilespmem:v12+s14+$0x0] =	vst.idx.add.f32.msk $0xffff, v27  }
0xd8: {  	v27 =	vshll.u32 v24, $0x10;
	v24 =	vand.u32 $0xFFFF0000, v24;
	[tilespmem:v12+s15+$0x0] =	vst.idx.add.f32.msk $0xffff, v20  }
0xd9: {  	v20 =	vshll.u32 v25, $0x10;
	v25 =	vand.u32 $0xFFFF0000, v25;
	v16 =	vld.idx.msk [tilespmem:v16+s13+$0x0], $0xffff  }
0xda: {  	v33 =	vshll.u32 v26, $0x10;
	v26 =	vand.u32 $0xFFFF0000, v26;
	v32 =	vld [tilespmem:s20+$0xFFFFFFC0]  }
0xdb: {  	v34 =	vshll.u32 v28, $0x10;
	v28 =	vand.u32 $0xFFFF0000, v28;
	v35 =	vld [tilespmem:s20+$0xFFFFFFD0]  }
0xdc: {  	v37 =	vshll.u32 v30, $0x10;
	v30 =	vand.u32 $0xFFFF0000, v30;
	v36 =	vld [tilespmem:s20+$0xFFFFFFE0]  }
0xdd: {  	v38 =	vld [tilespmem:s20+$0xFFFFFFF0]  }
0xde: {  	v39 =	vld [tilespmem:s20+$0x0]  }
0xdf: {  	v41 =	vshll.u32 v16, $0x10;
	v34 =	vmul.f32 v34, v32;
	v28 =	vmul.f32 v28, v32;
	v40 =	vld [tilespmem:s20+$0x10]  }
0xe0: {  	v16 =	vand.u32 $0xFFFF0000, v16;
	v41 =	vmul.f32 v41, v22;
	v29 =	vmul.f32 v29, v35;
	v42 =	vld [tilespmem:s20+$0x20]  }
0xe1: {  	v16 =	vmul.f32 v16, v22;
	v21 =	vmul.f32 v21, v35;
	[tilespmem:v9+s14+$0x0] =	vst.idx.add.f32.msk $0xffff, v34  }
0xe2: {  	v22 =	vmul.f32 v31, v36;
	v23 =	vmul.f32 v23, v36;
	[tilespmem:v12+s16+$0x0] =	vst.idx.add.f32.msk $0xffff, v41  }
0xe3: {  	v27 =	vmul.f32 v27, v38;
	v24 =	vmul.f32 v24, v38;
	[tilespmem:v12+s17+$0x0] =	vst.idx.add.f32.msk $0xffff, v16  }
0xe4: {  	v12 =	vmul.f32 v20, v39;
	v16 =	vmul.f32 v25, v39;
	[tilespmem:v9+s15+$0x0] =	vst.idx.add.f32.msk $0xffff, v28  }
0xe5: {  	v20 =	vmul.f32 v33, v40;
	v25 =	vmul.f32 v26, v40;
	[tilespmem:v8+s14+$0x0] =	vst.idx.add.f32.msk $0xffff, v29  }
0xe6: {  	v26 =	vmul.f32 v30, v42;
	[tilespmem:v8+s15+$0x0] =	vst.idx.add.f32.msk $0xffff, v21;
	v21 =	vmul.f32 v37, v42  }
0xe7: {  	[tilespmem:v7+s14+$0x0] =	vst.idx.add.f32.msk $0xffff, v22  }
0xe8: {  	[tilespmem:v7+s15+$0x0] =	vst.idx.add.f32.msk $0xffff, v23  }
0xe9: {  	[tilespmem:v6+s14+$0x0] =	vst.idx.add.f32.msk $0xffff, v27  }
0xea: {  	[tilespmem:v6+s15+$0x0] =	vst.idx.add.f32.msk $0xffff, v24  }
0xeb: {  	[tilespmem:v4+s14+$0x0] =	vst.idx.add.f32.msk $0xffff, v12  }
0xec: {  	[tilespmem:v4+s15+$0x0] =	vst.idx.add.f32.msk $0xffff, v16  }
0xed: {  	[tilespmem:v1+s14+$0x0] =	vst.idx.add.f32.msk $0xffff, v20  }
0xee: {  	[tilespmem:v1+s15+$0x0] =	vst.idx.add.f32.msk $0xffff, v25  }
0xef: {  	[tilespmem:v10+s14+$0x0] =	vst.idx.add.f32.msk $0xffff, v21  }
0xf0: {  	[tilespmem:v10+s15+$0x0] =	vst.idx.add.f32.msk $0xffff, v26  }
0xf1: {  	v12 =	vld.idx.msk [tilespmem:v18+s13+$0x0], $0xffff  }
0xf2: {  	v11 =	vld.idx.msk [tilespmem:v11+s13+$0x0], $0xffff  }
0xf3: {  	v16 =	vld.idx.msk [tilespmem:v19+s13+$0x0], $0xffff  }
0xf4: {  	v13 =	vld.idx.msk [tilespmem:v13+s13+$0x0], $0xffff  }
0xf5: {  	v14 =	vld.idx.msk [tilespmem:v14+s13+$0x0], $0xffff  }
0xf6: {  	v15 =	vld.idx.msk [tilespmem:v15+s13+$0x0], $0xffff  }
0xf7: {  	v18 =	vshll.u32 v12, $0x10;
	v12 =	vand.u32 $0xFFFF0000, v12;
	v17 =	vld.idx.msk [tilespmem:v17+s13+$0x0], $0xffff  }
0xf8: {  	v18 =	vmul.f32 v18, v32;
	v19 =	vshll.u32 v11, $0x10;
	v11 =	vand.u32 $0xFFFF0000, v11;
	[tilespmem:v2+s16+$0x0] =	vst.idx.add.f32.msk $0xffff, v5  }
0xf9: {  	v5 =	vmul.f32 v12, v32;
	v12 =	vshll.u32 v16, $0x10;
	v16 =	vand.u32 $0xFFFF0000, v16;
	[tilespmem:v2+s17+$0x0] =	vst.idx.add.f32.msk $0xffff, v3;
	v2 =	vmovc v10  }
0xfa: {  	v3 =	vmul.f32 v19, v35;
	v10 =	vshll.u32 v13, $0x10;
	v13 =	vand.u32 $0xFFFF0000, v13;
	[tilespmem:v9+s16+$0x0] =	vst.idx.add.f32.msk $0xffff, v18  }
0xfb: {  	[tilespmem:v9+s17+$0x0] =	vst.idx.add.f32.msk $0xffff, v5;
	v5 =	vmul.f32 v11, v35;
	v9 =	vshll.u32 v14, $0x10;
	v11 =	vand.u32 $0xFFFF0000, v14  }
0xfc: {  	v14 =	vand.u32 $0xFFFF0000, v15;
	[tilespmem:v8+s16+$0x0] =	vst.idx.add.f32.msk $0xffff, v3;
	v3 =	vmul.f32 v12, v36;
	v12 =	vshll.u32 v15, $0x10  }
0xfd: {  	v15 =	vand.u32 $0xFFFF0000, v17;
	[tilespmem:v8+s17+$0x0] =	vst.idx.add.f32.msk $0xffff, v5;
	v5 =	vmul.f32 v16, v36;
	v8 =	vshll.u32 v17, $0x10  }
0xfe: {  	v13 =	vmul.f32 v13, v38;
	[tilespmem:v7+s16+$0x0] =	vst.idx.add.f32.msk $0xffff, v3;
	v3 =	vmul.f32 v10, v38  }
.Ltmp6:
0xff: {  	v11 =	vmul.f32 v11, v39;
	[tilespmem:v7+s17+$0x0] =	vst.idx.add.f32.msk $0xffff, v5;
	v7 =	vmul.f32 v9, v39;
	(pc) =	sbr.rel @p2 .LBB2_16-.Ltmp6, $4  }
0x100: {  	v10 =	vmul.f32 v12, v40;
	v9 =	vmul.f32 v14, v40;
	[tilespmem:v6+s16+$0x0] =	vst.idx.add.f32.msk $0xffff, v3  }
0x101: {  	v5 =	vmul.f32 v8, v42;
	v3 =	vmul.f32 v15, v42;
	[tilespmem:v6+s17+$0x0] =	vst.idx.add.f32.msk $0xffff, v13  }
0x102: {  	[tilespmem:v4+s16+$0x0] =	vst.idx.add.f32.msk $0xffff, v7  }
0x103: {  	s22 =	sadd.s32 $0x100, s22;
	[tilespmem:v4+s17+$0x0] =	vst.idx.add.f32.msk $0xffff, v11  }
0x104: {  	_ =	sdelay $0x3  }
0x105: {  	[tilespmem:v1+s16+$0x0] =	vst.idx.add.f32.msk $0xffff, v10  }
0x106: {  	[tilespmem:v2+s16+$0x0] =	vst.idx.add.f32.msk $0xffff, v5  }
0x107: {  	[tilespmem:v1+s17+$0x0] =	vst.idx.add.f32.msk $0xffff, v9  }
0x108: {  	[tilespmem:v2+s17+$0x0] =	vst.idx.add.f32.msk $0xffff, v3  }
0x109: {  	p2 =	seq.s32 s19, $0x32  }
.Ltmp7:
0x10a: {  	_ = 	snop;
	(pc) =	sbr.rel @!p2 .LBB2_9-.Ltmp7, $2  }
0x10b: {  	_ =	sdelay $0x2  }
0x10c: {  	p0 =	por !p0, !p0;
	p1 =	por !p1, !p1  }
0x10d: {  	[hbm4b:s7+s2] =	stream.linear.scatter [tilespmem:s14], [sflag:$0x5], $0x2710, $0x38;
	[tilespmem:$0x14F00] =	vst v63  }
0x10e: {  	_ =	swait.ge [sflag:s12], $0x2710  }
0x10f: {  	[sflag:s12] =	ssyncset.done $0x0  }
0x110: {  	[sflag:s12] =	ssyncadd.s32 $0xFFFFD8F0  }
0x111: {  	[hbm4b:s8+s2] =	stream.linear.scatter [tilespmem:s15], [sflag:$0x5], $0x2710, $0x38;
	[tilespmem:$0x14F00] =	vst v63  }
0x112: {  	_ =	swait.ge [sflag:s12], $0x2710  }
0x113: {  	[sflag:s12] =	ssyncset.done $0x0  }
0x114: {  	[sflag:s12] =	ssyncadd.s32 $0xFFFFD8F0  }
0x115: {  	[hbm4b:s9+s2] =	stream.linear.scatter [tilespmem:s16], [sflag:$0x5], $0x2710, $0x38;
	[tilespmem:$0x14F00] =	vst v63  }
0x116: {  	s18 =	sadd.s32 $0x1, s18;
	_ =	swait.ge [sflag:s12], $0x2710  }
0x117: {  	p0 =	sne.s32 s18, s11;
	[sflag:s12] =	ssyncset.done $0x0  }
.Ltmp8:
0x118: {  	[sflag:s12] =	ssyncadd.s32 $0xFFFFD8F0;
	(pc) =	sbr.rel @p0 .LBB2_1-.Ltmp8, $4  }
0x119: {  	[hbm4b:s10+s2] =	stream.linear.scatter [tilespmem:s17], [sflag:$0x5], $0x2710, $0x38;
	[tilespmem:$0x14F00] =	vst v63  }
0x11a: {  	_ =	swait.ge [sflag:s12], $0x2710  }
0x11b: {  	[sflag:s12] =	ssyncset.done $0x0  }
0x11c: {  	[sflag:s12] =	ssyncadd.s32 $0xFFFFD8F0  }
0x11d: {  	_ =	sfence.sel $0x180000  }
0x11e: {  	[bflag:$0x0] =	sbarrier.arrive $0xFFFF  }
0x11f: {  	p0 =	sne.s32 s1, $0x0;
	_ =	strace $0x9000004A  }
0x120: {  	s0 =	sadd.s32 @!p0 $0x100000, s0;
	[bflag:$0x2] =	sbarrier.arrive $0xFFFF  }
0x121: {  	[sflag:s0] =	ssyncadd.tile.s32 @!p0 $0x1;
	_ =	shalt  }
.Lfunc_end2:
_tile_overlayer_lowered:
.L_overlay_start_2:
0x122: {  	(tag) =	ssettag $0x2  }
0x123: {  	s0 =	rddreg [dreg:$0x0];
	s2 =	stileid.u32  }
0x124: {  	s1 =	rddreg [dreg:$0x1];
	p0 =	sne.s32 s2, $0x0  }
0x125: {  	s3 =	rddreg [dreg:$0x2];
	[bflag:$0x3] =	sbarrier.arrive $0xFFFF;
	s2 =	simm.s32 @!p0 $0x1C05  }
0x126: {  	[timem:s3], [sflag:s2] =	dma.local @!p0 [hbm:s0], s1  }
0x127: {  	s0 =	simm.s32 @!p0 $0x5  }
0x128: {  	_ =	swait.ge @!p0 [sflag:s0], s1  }
0x129: {  	s1 =	ssub.s32 @!p0 $0x0, s1;
	[sflag:s0] =	ssyncset.done @!p0 $0x0  }
0x12a: {  	[sflag:s0] =	ssyncadd.s32 @!p0 s1  }
0x12b: {  	[bflag:$0x3] =	sbarrier.arrive $0xFFFF  }
0x12c: {  	_ =	shalt  }

</sc_bundles>
